<compile_context>
chip_gen: v7x
topology: tpu7x:2x2x1
jax: 0.10.2.dev20260603
libtpu: 0.0.44.dev20260713+nightly
codegen_flags: <defaults>
</compile_context>

<pallas_src>
import jax
import jax.numpy as jnp
import numpy as np
from jax import lax
from jax.experimental import pallas as pl
from jax.experimental.pallas import tpu as pltpu
from jax.experimental.pallas import tpu_sc as plsc

V = 100000
D = 128
C = 4
CP = 16
B = 4096
S = 200
H0 = 104
H1 = S - H0

NC = 2
NS = 16
NW = NC * NS
BW = B // NW
NBUF = 4

FOLD_R = 20000


def _fold_body(tbl_ref, w1_ref, w2_ref, psel_ref, qsel_ref, msk_ref, out_ref):
    w2p = jnp.concatenate(
        [w2_ref[...], jnp.zeros((CP - C, D), jnp.float32)], axis=0)
    wct = lax.dot_general(w1_ref[...], w2p, (((0,), (1,)), ((), ())),
                          preferred_element_type=jnp.float32)
    a = lax.dot_general(psel_ref[...], wct, (((1,), (0,)), ((), ())),
                        preferred_element_type=jnp.float32)
    a = lax.dot_general(a, qsel_ref[...], (((1,), (0,)), ((), ())),
                        preferred_element_type=jnp.float32)
    bd = a * msk_ref[...]
    tbl8 = jnp.reshape(tbl_ref[...], (FOLD_R // 8, 8 * D))
    out_ref[...] = jnp.reshape(
        lax.dot_general(tbl8, bd, (((1,), (0,)), ((), ())),
                        preferred_element_type=jnp.float32),
        (1, FOLD_R // 8, D))


def _fold(table, w1, w2):
    grid = V // FOLD_R
    m8 = FOLD_R // 8
    q_i = np.arange(8 * D, dtype=np.int64)
    l_i = np.arange(D, dtype=np.int64)
    c_i = np.arange(CP, dtype=np.int64)
    psel = jnp.asarray((q_i[:, None] % D == l_i[None, :]), jnp.float32)
    qsel = jnp.asarray((l_i[None, :] % CP == c_i[:, None]), jnp.float32)
    msk = jnp.asarray((q_i[:, None] // D == l_i[None, :] // CP), jnp.float32)
    return pl.pallas_call(
        _fold_body,
        grid=(grid,),
        in_specs=[
            pl.BlockSpec((FOLD_R, D), lambda i: (i, 0)),
            pl.BlockSpec((D, D), lambda i: (0, 0)),
            pl.BlockSpec((C, D), lambda i: (0, 0)),
            pl.BlockSpec((8 * D, D), lambda i: (0, 0)),
            pl.BlockSpec((CP, D), lambda i: (0, 0)),
            pl.BlockSpec((8 * D, D), lambda i: (0, 0)),
        ],
        out_specs=pl.BlockSpec((1, m8, D), lambda i: (i, 0, 0)),
        out_shape=jax.ShapeDtypeStruct((grid, m8, D), jnp.float32),
    )(table, w1, w2, psel, qsel, msk)


def _sc_body(x_hbm, t2_hbm, zsum_hbm, idx_v, rows_v, out_v, *sems):
    wid = lax.axis_index("s") * NC + lax.axis_index("c")
    base = wid * BW

    pltpu.sync_copy(x_hbm.at[pl.ds(base, BW)], idx_v)

    def issue(b, buf):
        pltpu.async_copy(t2_hbm.at[idx_v.at[b]], rows_v.at[buf], sems[buf])

    def issue_if(b, buf):
        @pl.when(b < BW)
        def _():
            issue(b, buf)

    def drain(b, buf):
        pltpu.make_async_copy(
            t2_hbm.at[idx_v.at[b]], rows_v.at[buf], sems[buf]).wait()

    def accum(b, buf):
        zero = jnp.zeros((CP,), jnp.float32)

        def body(q, a):
            r0 = 8 * q
            return tuple(a[k] + rows_v[buf, r0 + k, :] for k in range(8))

        a = lax.fori_loop(0, S // 8, body, (zero,) * 8)
        t0 = (a[0] + a[1]) + (a[2] + a[3])
        t1 = (a[4] + a[5]) + (a[6] + a[7])
        out_v[b, :] = t0 + t1

    for p in range(NBUF - 1):
        issue(p, p)

    def outer(i, carry):
        b0 = NBUF * i
        for k in range(NBUF):
            issue_if(b0 + k + NBUF - 1, (k + NBUF - 1) % NBUF)
            drain(b0 + k, k)
            accum(b0 + k, k)
        return carry

    lax.fori_loop(0, BW // NBUF, outer, 0)
    pltpu.sync_copy(out_v, zsum_hbm.at[pl.ds(base, BW)])


def _sc_gather_sum(x3, t2):
    mesh = plsc.VectorSubcoreMesh(core_axis_name="c", subcore_axis_name="s")
    return pl.kernel(
        _sc_body,
        mesh=mesh,
        compiler_params=pltpu.CompilerParams(use_tc_tiling_on_sc=False),
        out_type=jax.ShapeDtypeStruct((B, CP), jnp.float32),
        scratch_types=[
            pltpu.VMEM((BW, S), jnp.int32),
            pltpu.VMEM((NBUF, S, CP), jnp.float32),
            pltpu.VMEM((BW, CP), jnp.float32),
        ] + [pltpu.SemaphoreType.DMA] * NBUF,
    )(x3, t2)


def _head_body(zs_ref, w2_ref, b1_ref, b2_ref, out_ref):
    bc = lax.dot_general(b1_ref[...], w2_ref[...], (((1,), (1,)), ((), ())),
                         preferred_element_type=jnp.float32)
    bc = bc + b2_ref[...]
    z = zs_ref[:, 0:C] * jnp.float32(1.0 / S) + bc
    mx = jnp.max(z, axis=1, keepdims=True)
    lse = jnp.log(jnp.sum(jnp.exp(z - mx), axis=1, keepdims=True)) + mx
    out_ref[...] = z - lse


def _head(zsum, w2, b1r, b2r):
    return pl.pallas_call(
        _head_body,
        out_shape=jax.ShapeDtypeStruct((B, C), jnp.float32),
    )(zsum, w2, b1r, b2r)


def kernel(x, table, W1, b1, W2, b2):
    x3 = x.astype(jnp.int32)
    b1r = b1.reshape(1, D)
    b2r = b2.reshape(1, C)
    t2 = _fold(table, W1, W2).reshape(V, CP)
    zsum = _sc_gather_sum(x3, t2)
    return _head(zsum, W2, b1r, b2r)

# --- scband reference (transcript-rebuilt; emitter-appended) ---
"""Pipeline reference for scband-fast-text-73693048865379 (READ-ONLY COPY).

The authoritative reference and input builder live on the scoring server;
editing this copy changes nothing except your own understanding.
"""

import jax, jax.numpy as jnp
import numpy as np

VOCAB = 100000
DIM = 128
NUM_CLASSES = 4
BATCH = 4096
SEQ = 200


def setup_inputs(seed: int = 0) -> dict:
    key = jax.random.key(seed)
    k1, k2, k3, k4 = jax.random.split(key, 4)
    x = jax.random.randint(k1, (BATCH, SEQ), 0, VOCAB)
    table = jax.random.normal(k2, (VOCAB, DIM), dtype=jnp.float32) * 0.05
    table = table.at[0].set(0.0)  # padding_idx=0 row is zero
    W1 = jax.random.normal(k3, (DIM, DIM), dtype=jnp.float32) * 0.05
    b1 = jnp.zeros((DIM,), dtype=jnp.float32)
    W2 = jax.random.normal(k4, (NUM_CLASSES, DIM), dtype=jnp.float32) * 0.05
    b2 = jnp.zeros((NUM_CLASSES,), dtype=jnp.float32)
    return {"x": x, "table": table, "W1": W1, "b1": b1, "W2": W2, "b2": b2}


def reference(x, table, W1, b1, W2, b2):
    # embedding lookup (gather)
    embedded = jnp.take(table, x, axis=0)          # [B, S, D]
    m = embedded.mean(axis=1)                       # [B, D]
    h = m @ W1.T + b1                               # fc1
    z = h @ W2.T + b2                               # fc2
    out = jax.nn.log_softmax(z, axis=1)
    return out

if __name__ == "__main__":
    import jax
    _d = setup_inputs()
    print(jax.jit(kernel)(*tuple(_d.values())))

</pallas_src>

<mosaic_0001>
#map = affine_map<(d0, d1) -> (0, 0)>
module attributes {stable_mosaic.version = 14 : i64} {
  func.func @_sc_body(%arg0: i32, %arg1: i32, %arg2: memref<4096x200xi32, #tpu.memory_space<hbm>>, %arg3: memref<100000x16xf32, #tpu.memory_space<hbm>>, %arg4: memref<4096x16xf32, #tpu.memory_space<hbm>>, %arg5: memref<128x200xi32, #tpu.memory_space<vmem>>, %arg6: memref<4x200x16xf32, #tpu.memory_space<vmem>>, %arg7: memref<128x16xf32, #tpu.memory_space<vmem>>, %arg8: memref<!tpu.dma_semaphore, #tpu.memory_space<semaphore_mem>>, %arg9: memref<!tpu.dma_semaphore, #tpu.memory_space<semaphore_mem>>, %arg10: memref<!tpu.dma_semaphore, #tpu.memory_space<semaphore_mem>>, %arg11: memref<!tpu.dma_semaphore, #tpu.memory_space<semaphore_mem>>) attributes {dimension_semantics = [#tpu.dimension_semantics<core_parallel>, #tpu.dimension_semantics<subcore_parallel>], iteration_bounds = array<i64: 2, 16>, scalar_prefetch = 0 : i64, scratch_operands = 7 : i64, tpu.core_type = #tpu.core_type<sc_vector_subcore>, window_params = [{transform_indices = #map}, {transform_indices = #map}, {transform_indices = #map}]} {
    %mul3A = arith.constant 2 : i32
    %mul3A_0 = arith.muli %arg1, %mul3A : i32
    %add3A = arith.addi %mul3A_0, %arg0 : i32
    %mul3A_1 = arith.constant 128 : i32
    %mul3A_2 = arith.muli %add3A, %mul3A_1 : i32
    "tpu.region"() ({
      %run_scoped3A = tpu.sem_alloc : memref<!tpu.dma_semaphore, #tpu.memory_space<semaphore_mem>>
      %dma_start3A_43 = arith.constant 0 : i32
      %dma_start3A_44 = tpu.memref_slice %arg2[%mul3A_2, %dma_start3A_43] : memref<4096x200xi32, #tpu.memory_space<hbm>> -> memref<128x200xi32, #tpu.memory_space<hbm>>
      %dma_start3A_45 = arith.constant 0 : i32
      %dma_start3A_46 = tpu.memref_slice %arg2[%mul3A_2, %dma_start3A_45] : memref<4096x200xi32, #tpu.memory_space<hbm>> -> memref<128x200xi32, #tpu.memory_space<hbm>>
      tpu.enqueue_dma source(%dma_start3A_46 : memref<128x200xi32, #tpu.memory_space<hbm>>) target(%arg5 : memref<128x200xi32, #tpu.memory_space<vmem>>) target_semaphore(%run_scoped3A : memref<!tpu.dma_semaphore, #tpu.memory_space<semaphore_mem>>)
      %dma_wait3A = arith.constant 0 : i32
      %dma_wait3A_47 = tpu.memref_slice %arg2[%mul3A_2, %dma_wait3A] : memref<4096x200xi32, #tpu.memory_space<hbm>> -> memref<128x200xi32, #tpu.memory_space<hbm>>
      %dma_wait3A_48 = arith.constant 0 : i32
      %dma_wait3A_49 = tpu.memref_slice %arg2[%mul3A_2, %dma_wait3A_48] : memref<4096x200xi32, #tpu.memory_space<hbm>> -> memref<128x200xi32, #tpu.memory_space<hbm>>
      tpu.wait_dma2 semaphore(%run_scoped3A : memref<!tpu.dma_semaphore, #tpu.memory_space<semaphore_mem>>) src(%dma_wait3A_49 : memref<128x200xi32, #tpu.memory_space<hbm>>) dst(%arg5 : memref<128x200xi32, #tpu.memory_space<vmem>>)
      tpu.yield
    }) : () -> ()
    %dma_start3A = arith.constant 0 : i32
    %dma_start3A_3 = arith.constant 0 : i32
    %dma_start3A_4 = arith.constant 0 : i32
    %dma_start3A_5 = arith.constant 0 : i32
    %dma_start3A_6 = tpu.memref_slice %arg6[%dma_start3A_3, %dma_start3A_4, %dma_start3A_5] : memref<4x200x16xf32, #tpu.memory_space<vmem>> -> memref<1x200x16xf32, #tpu.memory_space<vmem>>
    %dma_start3A_7 = tpu.memref_squeeze %dma_start3A_6 : memref<1x200x16xf32, #tpu.memory_space<vmem>> -> memref<200x16xf32, #tpu.memory_space<vmem>>
    %dma_start3A_8 = arith.constant 0 : i32
    %dma_start3A_9 = tpu.memref_slice %arg5[%dma_start3A, %dma_start3A_8] : memref<128x200xi32, #tpu.memory_space<vmem>> -> memref<1x200xi32, #tpu.memory_space<vmem>>
    %dma_start3A_10 = tpu.memref_squeeze %dma_start3A_9 : memref<1x200xi32, #tpu.memory_space<vmem>> -> memref<200xi32, #tpu.memory_space<vmem>>
    %dma_start3A_11 = arith.constant 0 : i32
    %dma_start3A_12 = arith.constant 0 : i32
    %dma_start3A_13 = tpu.memref_slice %arg3[%dma_start3A_11, %dma_start3A_12] : memref<100000x16xf32, #tpu.memory_space<hbm>> -> memref<100000x16xf32, #tpu.memory_space<hbm>>
    tpu.enqueue_indirect_dma source(%dma_start3A_13 : memref<100000x16xf32, #tpu.memory_space<hbm>>) target(%dma_start3A_7 : memref<200x16xf32, #tpu.memory_space<vmem>>) offsets(%dma_start3A_10 : memref<200xi32, #tpu.memory_space<vmem>>) semaphore(%arg8 : memref<!tpu.dma_semaphore, #tpu.memory_space<semaphore_mem>>)
    %dma_start3A_14 = arith.constant 1 : i32
    %dma_start3A_15 = arith.constant 1 : i32
    %dma_start3A_16 = arith.constant 0 : i32
    %dma_start3A_17 = arith.constant 0 : i32
    %dma_start3A_18 = tpu.memref_slice %arg6[%dma_start3A_15, %dma_start3A_16, %dma_start3A_17] : memref<4x200x16xf32, #tpu.memory_space<vmem>> -> memref<1x200x16xf32, #tpu.memory_space<vmem>>
    %dma_start3A_19 = tpu.memref_squeeze %dma_start3A_18 : memref<1x200x16xf32, #tpu.memory_space<vmem>> -> memref<200x16xf32, #tpu.memory_space<vmem>>
    %dma_start3A_20 = arith.constant 0 : i32
    %dma_start3A_21 = tpu.memref_slice %arg5[%dma_start3A_14, %dma_start3A_20] : memref<128x200xi32, #tpu.memory_space<vmem>> -> memref<1x200xi32, #tpu.memory_space<vmem>>
    %dma_start3A_22 = tpu.memref_squeeze %dma_start3A_21 : memref<1x200xi32, #tpu.memory_space<vmem>> -> memref<200xi32, #tpu.memory_space<vmem>>
    %dma_start3A_23 = arith.constant 0 : i32
    %dma_start3A_24 = arith.constant 0 : i32
    %dma_start3A_25 = tpu.memref_slice %arg3[%dma_start3A_23, %dma_start3A_24] : memref<100000x16xf32, #tpu.memory_space<hbm>> -> memref<100000x16xf32, #tpu.memory_space<hbm>>
    tpu.enqueue_indirect_dma source(%dma_start3A_25 : memref<100000x16xf32, #tpu.memory_space<hbm>>) target(%dma_start3A_19 : memref<200x16xf32, #tpu.memory_space<vmem>>) offsets(%dma_start3A_22 : memref<200xi32, #tpu.memory_space<vmem>>) semaphore(%arg9 : memref<!tpu.dma_semaphore, #tpu.memory_space<semaphore_mem>>)
    %dma_start3A_26 = arith.constant 2 : i32
    %dma_start3A_27 = arith.constant 2 : i32
    %dma_start3A_28 = arith.constant 0 : i32
    %dma_start3A_29 = arith.constant 0 : i32
    %dma_start3A_30 = tpu.memref_slice %arg6[%dma_start3A_27, %dma_start3A_28, %dma_start3A_29] : memref<4x200x16xf32, #tpu.memory_space<vmem>> -> memref<1x200x16xf32, #tpu.memory_space<vmem>>
    %dma_start3A_31 = tpu.memref_squeeze %dma_start3A_30 : memref<1x200x16xf32, #tpu.memory_space<vmem>> -> memref<200x16xf32, #tpu.memory_space<vmem>>
    %dma_start3A_32 = arith.constant 0 : i32
    %dma_start3A_33 = tpu.memref_slice %arg5[%dma_start3A_26, %dma_start3A_32] : memref<128x200xi32, #tpu.memory_space<vmem>> -> memref<1x200xi32, #tpu.memory_space<vmem>>
    %dma_start3A_34 = tpu.memref_squeeze %dma_start3A_33 : memref<1x200xi32, #tpu.memory_space<vmem>> -> memref<200xi32, #tpu.memory_space<vmem>>
    %dma_start3A_35 = arith.constant 0 : i32
    %dma_start3A_36 = arith.constant 0 : i32
    %dma_start3A_37 = tpu.memref_slice %arg3[%dma_start3A_35, %dma_start3A_36] : memref<100000x16xf32, #tpu.memory_space<hbm>> -> memref<100000x16xf32, #tpu.memory_space<hbm>>
    tpu.enqueue_indirect_dma source(%dma_start3A_37 : memref<100000x16xf32, #tpu.memory_space<hbm>>) target(%dma_start3A_31 : memref<200x16xf32, #tpu.memory_space<vmem>>) offsets(%dma_start3A_34 : memref<200xi32, #tpu.memory_space<vmem>>) semaphore(%arg10 : memref<!tpu.dma_semaphore, #tpu.memory_space<semaphore_mem>>)
    %scan3A = arith.constant 0 : i32
    %scan3A_38 = arith.constant 0 : i32
    %scan3A_39 = arith.constant 32 : i32
    %scan3A_40 = arith.addi %scan3A_38, %scan3A_39 : i32
    %scan3A_41 = arith.constant 1 : i32
    scf.for %scan3A_43 = %scan3A_38 to %scan3A_40 step %scan3A_41  : i32 {
      %mul3A_44 = arith.constant 4 : i32
      %mul3A_45 = arith.muli %mul3A_44, %scan3A_43 : i32
      %add3A_46 = arith.constant 0 : i32
      %add3A_47 = arith.addi %mul3A_45, %add3A_46 : i32
      %add3A_48 = arith.constant 4 : i32
      %add3A_49 = arith.addi %add3A_47, %add3A_48 : i32
      %sub3A = arith.constant 1 : i32
      %sub3A_50 = arith.subi %add3A_49, %sub3A : i32
      %lt3A = arith.constant 128 : i32
      %lt3A_51 = arith.cmpi slt, %sub3A_50, %lt3A : i32
      %convert_element_type3A = arith.extui %lt3A_51 : i1 to i32
      %cond3A = arith.constant 0 : i32
      %cond3A_52 = arith.cmpi ne, %convert_element_type3A, %cond3A : i32
      scf.if %cond3A_52 {
        %dma_start3A_223 = arith.constant 3 : i32
        %dma_start3A_224 = arith.constant 0 : i32
        %dma_start3A_225 = arith.constant 0 : i32
        %dma_start3A_226 = tpu.memref_slice %arg6[%dma_start3A_223, %dma_start3A_224, %dma_start3A_225] : memref<4x200x16xf32, #tpu.memory_space<vmem>> -> memref<1x200x16xf32, #tpu.memory_space<vmem>>
        %dma_start3A_227 = tpu.memref_squeeze %dma_start3A_226 : memref<1x200x16xf32, #tpu.memory_space<vmem>> -> memref<200x16xf32, #tpu.memory_space<vmem>>
        %dma_start3A_228 = arith.constant 0 : i32
        %dma_start3A_229 = tpu.memref_slice %arg5[%sub3A_50, %dma_start3A_228] : memref<128x200xi32, #tpu.memory_space<vmem>> -> memref<1x200xi32, #tpu.memory_space<vmem>>
        %dma_start3A_230 = tpu.memref_squeeze %dma_start3A_229 : memref<1x200xi32, #tpu.memory_space<vmem>> -> memref<200xi32, #tpu.memory_space<vmem>>
        %dma_start3A_231 = arith.constant 0 : i32
        %dma_start3A_232 = arith.constant 0 : i32
        %dma_start3A_233 = tpu.memref_slice %arg3[%dma_start3A_231, %dma_start3A_232] : memref<100000x16xf32, #tpu.memory_space<hbm>> -> memref<100000x16xf32, #tpu.memory_space<hbm>>
        tpu.enqueue_indirect_dma source(%dma_start3A_233 : memref<100000x16xf32, #tpu.memory_space<hbm>>) target(%dma_start3A_227 : memref<200x16xf32, #tpu.memory_space<vmem>>) offsets(%dma_start3A_230 : memref<200xi32, #tpu.memory_space<vmem>>) semaphore(%arg11 : memref<!tpu.dma_semaphore, #tpu.memory_space<semaphore_mem>>)
      } else {
      }
      %add3A_53 = arith.constant 0 : i32
      %add3A_54 = arith.addi %mul3A_45, %add3A_53 : i32
      %dma_wait3A = arith.constant 0 : i32
      %dma_wait3A_55 = arith.constant 0 : i32
      %dma_wait3A_56 = arith.constant 0 : i32
      %dma_wait3A_57 = tpu.memref_slice %arg6[%dma_wait3A, %dma_wait3A_55, %dma_wait3A_56] : memref<4x200x16xf32, #tpu.memory_space<vmem>> -> memref<1x200x16xf32, #tpu.memory_space<vmem>>
      %dma_wait3A_58 = tpu.memref_squeeze %dma_wait3A_57 : memref<1x200x16xf32, #tpu.memory_space<vmem>> -> memref<200x16xf32, #tpu.memory_space<vmem>>
      %dma_wait3A_59 = arith.constant 0 : i32
      %dma_wait3A_60 = tpu.memref_slice %arg5[%add3A_54, %dma_wait3A_59] : memref<128x200xi32, #tpu.memory_space<vmem>> -> memref<1x200xi32, #tpu.memory_space<vmem>>
      %dma_wait3A_61 = tpu.memref_squeeze %dma_wait3A_60 : memref<1x200xi32, #tpu.memory_space<vmem>> -> memref<200xi32, #tpu.memory_space<vmem>>
      %dma_wait3A_62 = arith.constant 0 : i32
      %dma_wait3A_63 = arith.constant 0 : i32
      %dma_wait3A_64 = tpu.memref_slice %arg3[%dma_wait3A_62, %dma_wait3A_63] : memref<100000x16xf32, #tpu.memory_space<hbm>> -> memref<100000x16xf32, #tpu.memory_space<hbm>>
      tpu.wait_indirect_dma semaphore(%arg8 : memref<!tpu.dma_semaphore, #tpu.memory_space<semaphore_mem>>) src(%dma_wait3A_64 : memref<100000x16xf32, #tpu.memory_space<hbm>>) dst(%dma_wait3A_58 : memref<200x16xf32, #tpu.memory_space<vmem>>)
      %add3A_65 = arith.constant 0 : i32
      %add3A_66 = arith.addi %mul3A_45, %add3A_65 : i32
      %broadcast_in_dim3A = arith.constant 0.000000e+00 : f32
      %broadcast_in_dim3A_67 = vector.broadcast %broadcast_in_dim3A : f32 to vector<16xf32>
      %scan3A_68 = arith.constant 0 : i32
      %scan3A_69 = arith.constant 25 : i32
      %scan3A_70 = arith.addi %scan3A_68, %scan3A_69 : i32
      %scan3A_71 = arith.constant 1 : i32
      %scan3A_72:8 = scf.for %scan3A_223 = %scan3A_68 to %scan3A_70 step %scan3A_71 iter_args(%scan3A_224 = %broadcast_in_dim3A_67, %scan3A_225 = %broadcast_in_dim3A_67, %scan3A_226 = %broadcast_in_dim3A_67, %scan3A_227 = %broadcast_in_dim3A_67, %scan3A_228 = %broadcast_in_dim3A_67, %scan3A_229 = %broadcast_in_dim3A_67, %scan3A_230 = %broadcast_in_dim3A_67, %scan3A_231 = %broadcast_in_dim3A_67) -> (vector<16xf32>, vector<16xf32>, vector<16xf32>, vector<16xf32>, vector<16xf32>, vector<16xf32>, vector<16xf32>, vector<16xf32>)  : i32 {
        %mul3A_232 = arith.constant 8 : i32
        %mul3A_233 = arith.muli %mul3A_232, %scan3A_223 : i32
        %add3A_234 = arith.constant 0 : i32
        %add3A_235 = arith.addi %mul3A_233, %add3A_234 : i32
        %get3A = arith.constant 0 : i32
        %get3A_236 = arith.index_cast %get3A : i32 to index
        %get3A_237 = arith.index_cast %add3A_235 : i32 to index
        %get3A_238 = arith.constant 0 : index
        %get3A_239 = tpu.vector_load %arg6[%get3A_236, %get3A_237, %get3A_238] {strides = array<i32>} : memref<4x200x16xf32, #tpu.memory_space<vmem>>, vector<1x1x16xf32>,
        %get3A_240 = vector.shape_cast %get3A_239 : vector<1x1x16xf32> to vector<16xf32>
        %add3A_241 = arith.addf %scan3A_224, %get3A_240 : vector<16xf32>
        %add3A_242 = arith.constant 1 : i32
        %add3A_243 = arith.addi %mul3A_233, %add3A_242 : i32
        %get3A_244 = arith.constant 0 : i32
        %get3A_245 = arith.index_cast %get3A_244 : i32 to index
        %get3A_246 = arith.index_cast %add3A_243 : i32 to index
        %get3A_247 = arith.constant 0 : index
        %get3A_248 = tpu.vector_load %arg6[%get3A_245, %get3A_246, %get3A_247] {strides = array<i32>} : memref<4x200x16xf32, #tpu.memory_space<vmem>>, vector<1x1x16xf32>,
        %get3A_249 = vector.shape_cast %get3A_248 : vector<1x1x16xf32> to vector<16xf32>
        %add3A_250 = arith.addf %scan3A_225, %get3A_249 : vector<16xf32>
        %add3A_251 = arith.constant 2 : i32
        %add3A_252 = arith.addi %mul3A_233, %add3A_251 : i32
        %get3A_253 = arith.constant 0 : i32
        %get3A_254 = arith.index_cast %get3A_253 : i32 to index
        %get3A_255 = arith.index_cast %add3A_252 : i32 to index
        %get3A_256 = arith.constant 0 : index
        %get3A_257 = tpu.vector_load %arg6[%get3A_254, %get3A_255, %get3A_256] {strides = array<i32>} : memref<4x200x16xf32, #tpu.memory_space<vmem>>, vector<1x1x16xf32>,
        %get3A_258 = vector.shape_cast %get3A_257 : vector<1x1x16xf32> to vector<16xf32>
        %add3A_259 = arith.addf %scan3A_226, %get3A_258 : vector<16xf32>
        %add3A_260 = arith.constant 3 : i32
        %add3A_261 = arith.addi %mul3A_233, %add3A_260 : i32
        %get3A_262 = arith.constant 0 : i32
        %get3A_263 = arith.index_cast %get3A_262 : i32 to index
        %get3A_264 = arith.index_cast %add3A_261 : i32 to index
        %get3A_265 = arith.constant 0 : index
        %get3A_266 = tpu.vector_load %arg6[%get3A_263, %get3A_264, %get3A_265] {strides = array<i32>} : memref<4x200x16xf32, #tpu.memory_space<vmem>>, vector<1x1x16xf32>,
        %get3A_267 = vector.shape_cast %get3A_266 : vector<1x1x16xf32> to vector<16xf32>
        %add3A_268 = arith.addf %scan3A_227, %get3A_267 : vector<16xf32>
        %add3A_269 = arith.constant 4 : i32
        %add3A_270 = arith.addi %mul3A_233, %add3A_269 : i32
        %get3A_271 = arith.constant 0 : i32
        %get3A_272 = arith.index_cast %get3A_271 : i32 to index
        %get3A_273 = arith.index_cast %add3A_270 : i32 to index
        %get3A_274 = arith.constant 0 : index
        %get3A_275 = tpu.vector_load %arg6[%get3A_272, %get3A_273, %get3A_274] {strides = array<i32>} : memref<4x200x16xf32, #tpu.memory_space<vmem>>, vector<1x1x16xf32>,
        %get3A_276 = vector.shape_cast %get3A_275 : vector<1x1x16xf32> to vector<16xf32>
        %add3A_277 = arith.addf %scan3A_228, %get3A_276 : vector<16xf32>
        %add3A_278 = arith.constant 5 : i32
        %add3A_279 = arith.addi %mul3A_233, %add3A_278 : i32
        %get3A_280 = arith.constant 0 : i32
        %get3A_281 = arith.index_cast %get3A_280 : i32 to index
        %get3A_282 = arith.index_cast %add3A_279 : i32 to index
        %get3A_283 = arith.constant 0 : index
        %get3A_284 = tpu.vector_load %arg6[%get3A_281, %get3A_282, %get3A_283] {strides = array<i32>} : memref<4x200x16xf32, #tpu.memory_space<vmem>>, vector<1x1x16xf32>,
        %get3A_285 = vector.shape_cast %get3A_284 : vector<1x1x16xf32> to vector<16xf32>
        %add3A_286 = arith.addf %scan3A_229, %get3A_285 : vector<16xf32>
        %add3A_287 = arith.constant 6 : i32
        %add3A_288 = arith.addi %mul3A_233, %add3A_287 : i32
        %get3A_289 = arith.constant 0 : i32
        %get3A_290 = arith.index_cast %get3A_289 : i32 to index
        %get3A_291 = arith.index_cast %add3A_288 : i32 to index
        %get3A_292 = arith.constant 0 : index
        %get3A_293 = tpu.vector_load %arg6[%get3A_290, %get3A_291, %get3A_292] {strides = array<i32>} : memref<4x200x16xf32, #tpu.memory_space<vmem>>, vector<1x1x16xf32>,
        %get3A_294 = vector.shape_cast %get3A_293 : vector<1x1x16xf32> to vector<16xf32>
        %add3A_295 = arith.addf %scan3A_230, %get3A_294 : vector<16xf32>
        %add3A_296 = arith.constant 7 : i32
        %add3A_297 = arith.addi %mul3A_233, %add3A_296 : i32
        %get3A_298 = arith.constant 0 : i32
        %get3A_299 = arith.index_cast %get3A_298 : i32 to index
        %get3A_300 = arith.index_cast %add3A_297 : i32 to index
        %get3A_301 = arith.constant 0 : index
        %get3A_302 = tpu.vector_load %arg6[%get3A_299, %get3A_300, %get3A_301] {strides = array<i32>} : memref<4x200x16xf32, #tpu.memory_space<vmem>>, vector<1x1x16xf32>,
        %get3A_303 = vector.shape_cast %get3A_302 : vector<1x1x16xf32> to vector<16xf32>
        %add3A_304 = arith.addf %scan3A_231, %get3A_303 : vector<16xf32>
        scf.yield %add3A_241, %add3A_250, %add3A_259, %add3A_268, %add3A_277, %add3A_286, %add3A_295, %add3A_304 : vector<16xf32>, vector<16xf32>, vector<16xf32>, vector<16xf32>, vector<16xf32>, vector<16xf32>, vector<16xf32>, vector<16xf32>
      }
      %scan3A_73 = arith.constant 25 : i32
      %add3A_74 = arith.addf %scan3A_72#0, %scan3A_72#1 : vector<16xf32>
      %add3A_75 = arith.addf %scan3A_72#2, %scan3A_72#3 : vector<16xf32>
      %add3A_76 = arith.addf %add3A_74, %add3A_75 : vector<16xf32>
      %add3A_77 = arith.addf %scan3A_72#4, %scan3A_72#5 : vector<16xf32>
      %add3A_78 = arith.addf %scan3A_72#6, %scan3A_72#7 : vector<16xf32>
      %add3A_79 = arith.addf %add3A_77, %add3A_78 : vector<16xf32>
      %add3A_80 = arith.addf %add3A_76, %add3A_79 : vector<16xf32>
      %swap3A = arith.index_cast %add3A_66 : i32 to index
      %swap3A_81 = arith.constant 0 : index
      %swap3A_82 = tpu.vector_load %arg7[%swap3A, %swap3A_81] {strides = array<i32>} : memref<128x16xf32, #tpu.memory_space<vmem>>, vector<1x16xf32>,
      %swap3A_83 = vector.shape_cast %swap3A_82 : vector<1x16xf32> to vector<16xf32>
      %swap3A_84 = vector.shape_cast %add3A_80 : vector<16xf32> to vector<1x16xf32>
      tpu.vector_store %arg7[%swap3A, %swap3A_81], %swap3A_84 {strides = array<i32>} : memref<128x16xf32, #tpu.memory_space<vmem>>, vector<1x16xf32>,
      %add3A_85 = arith.constant 1 : i32
      %add3A_86 = arith.addi %mul3A_45, %add3A_85 : i32
      %add3A_87 = arith.constant 4 : i32
      %add3A_88 = arith.addi %add3A_86, %add3A_87 : i32
      %sub3A_89 = arith.constant 1 : i32
      %sub3A_90 = arith.subi %add3A_88, %sub3A_89 : i32
      %lt3A_91 = arith.constant 128 : i32
      %lt3A_92 = arith.cmpi slt, %sub3A_90, %lt3A_91 : i32
      %convert_element_type3A_93 = arith.extui %lt3A_92 : i1 to i32
      %cond3A_94 = arith.constant 0 : i32
      %cond3A_95 = arith.cmpi ne, %convert_element_type3A_93, %cond3A_94 : i32
      scf.if %cond3A_95 {
        %dma_start3A_223 = arith.constant 0 : i32
        %dma_start3A_224 = arith.constant 0 : i32
        %dma_start3A_225 = arith.constant 0 : i32
        %dma_start3A_226 = tpu.memref_slice %arg6[%dma_start3A_223, %dma_start3A_224, %dma_start3A_225] : memref<4x200x16xf32, #tpu.memory_space<vmem>> -> memref<1x200x16xf32, #tpu.memory_space<vmem>>
        %dma_start3A_227 = tpu.memref_squeeze %dma_start3A_226 : memref<1x200x16xf32, #tpu.memory_space<vmem>> -> memref<200x16xf32, #tpu.memory_space<vmem>>
        %dma_start3A_228 = arith.constant 0 : i32
        %dma_start3A_229 = tpu.memref_slice %arg5[%sub3A_90, %dma_start3A_228] : memref<128x200xi32, #tpu.memory_space<vmem>> -> memref<1x200xi32, #tpu.memory_space<vmem>>
        %dma_start3A_230 = tpu.memref_squeeze %dma_start3A_229 : memref<1x200xi32, #tpu.memory_space<vmem>> -> memref<200xi32, #tpu.memory_space<vmem>>
        %dma_start3A_231 = arith.constant 0 : i32
        %dma_start3A_232 = arith.constant 0 : i32
        %dma_start3A_233 = tpu.memref_slice %arg3[%dma_start3A_231, %dma_start3A_232] : memref<100000x16xf32, #tpu.memory_space<hbm>> -> memref<100000x16xf32, #tpu.memory_space<hbm>>
        tpu.enqueue_indirect_dma source(%dma_start3A_233 : memref<100000x16xf32, #tpu.memory_space<hbm>>) target(%dma_start3A_227 : memref<200x16xf32, #tpu.memory_space<vmem>>) offsets(%dma_start3A_230 : memref<200xi32, #tpu.memory_space<vmem>>) semaphore(%arg8 : memref<!tpu.dma_semaphore, #tpu.memory_space<semaphore_mem>>)
      } else {
      }
      %add3A_96 = arith.constant 1 : i32
      %add3A_97 = arith.addi %mul3A_45, %add3A_96 : i32
      %dma_wait3A_98 = arith.constant 1 : i32
      %dma_wait3A_99 = arith.constant 0 : i32
      %dma_wait3A_100 = arith.constant 0 : i32
      %dma_wait3A_101 = tpu.memref_slice %arg6[%dma_wait3A_98, %dma_wait3A_99, %dma_wait3A_100] : memref<4x200x16xf32, #tpu.memory_space<vmem>> -> memref<1x200x16xf32, #tpu.memory_space<vmem>>
      %dma_wait3A_102 = tpu.memref_squeeze %dma_wait3A_101 : memref<1x200x16xf32, #tpu.memory_space<vmem>> -> memref<200x16xf32, #tpu.memory_space<vmem>>
      %dma_wait3A_103 = arith.constant 0 : i32
      %dma_wait3A_104 = tpu.memref_slice %arg5[%add3A_97, %dma_wait3A_103] : memref<128x200xi32, #tpu.memory_space<vmem>> -> memref<1x200xi32, #tpu.memory_space<vmem>>
      %dma_wait3A_105 = tpu.memref_squeeze %dma_wait3A_104 : memref<1x200xi32, #tpu.memory_space<vmem>> -> memref<200xi32, #tpu.memory_space<vmem>>
      %dma_wait3A_106 = arith.constant 0 : i32
      %dma_wait3A_107 = arith.constant 0 : i32
      %dma_wait3A_108 = tpu.memref_slice %arg3[%dma_wait3A_106, %dma_wait3A_107] : memref<100000x16xf32, #tpu.memory_space<hbm>> -> memref<100000x16xf32, #tpu.memory_space<hbm>>
      tpu.wait_indirect_dma semaphore(%arg9 : memref<!tpu.dma_semaphore, #tpu.memory_space<semaphore_mem>>) src(%dma_wait3A_108 : memref<100000x16xf32, #tpu.memory_space<hbm>>) dst(%dma_wait3A_102 : memref<200x16xf32, #tpu.memory_space<vmem>>)
      %add3A_109 = arith.constant 1 : i32
      %add3A_110 = arith.addi %mul3A_45, %add3A_109 : i32
      %broadcast_in_dim3A_111 = arith.constant 0.000000e+00 : f32
      %broadcast_in_dim3A_112 = vector.broadcast %broadcast_in_dim3A_111 : f32 to vector<16xf32>
      %scan3A_113 = arith.constant 0 : i32
      %scan3A_114 = arith.constant 25 : i32
      %scan3A_115 = arith.addi %scan3A_113, %scan3A_114 : i32
      %scan3A_116 = arith.constant 1 : i32
      %scan3A_117:8 = scf.for %scan3A_223 = %scan3A_113 to %scan3A_115 step %scan3A_116 iter_args(%scan3A_224 = %broadcast_in_dim3A_112, %scan3A_225 = %broadcast_in_dim3A_112, %scan3A_226 = %broadcast_in_dim3A_112, %scan3A_227 = %broadcast_in_dim3A_112, %scan3A_228 = %broadcast_in_dim3A_112, %scan3A_229 = %broadcast_in_dim3A_112, %scan3A_230 = %broadcast_in_dim3A_112, %scan3A_231 = %broadcast_in_dim3A_112) -> (vector<16xf32>, vector<16xf32>, vector<16xf32>, vector<16xf32>, vector<16xf32>, vector<16xf32>, vector<16xf32>, vector<16xf32>)  : i32 {
        %mul3A_232 = arith.constant 8 : i32
        %mul3A_233 = arith.muli %mul3A_232, %scan3A_223 : i32
        %add3A_234 = arith.constant 0 : i32
        %add3A_235 = arith.addi %mul3A_233, %add3A_234 : i32
        %get3A = arith.constant 1 : i32
        %get3A_236 = arith.index_cast %get3A : i32 to index
        %get3A_237 = arith.index_cast %add3A_235 : i32 to index
        %get3A_238 = arith.constant 0 : index
        %get3A_239 = tpu.vector_load %arg6[%get3A_236, %get3A_237, %get3A_238] {strides = array<i32>} : memref<4x200x16xf32, #tpu.memory_space<vmem>>, vector<1x1x16xf32>,
        %get3A_240 = vector.shape_cast %get3A_239 : vector<1x1x16xf32> to vector<16xf32>
        %add3A_241 = arith.addf %scan3A_224, %get3A_240 : vector<16xf32>
        %add3A_242 = arith.constant 1 : i32
        %add3A_243 = arith.addi %mul3A_233, %add3A_242 : i32
        %get3A_244 = arith.constant 1 : i32
        %get3A_245 = arith.index_cast %get3A_244 : i32 to index
        %get3A_246 = arith.index_cast %add3A_243 : i32 to index
        %get3A_247 = arith.constant 0 : index
        %get3A_248 = tpu.vector_load %arg6[%get3A_245, %get3A_246, %get3A_247] {strides = array<i32>} : memref<4x200x16xf32, #tpu.memory_space<vmem>>, vector<1x1x16xf32>,
        %get3A_249 = vector.shape_cast %get3A_248 : vector<1x1x16xf32> to vector<16xf32>
        %add3A_250 = arith.addf %scan3A_225, %get3A_249 : vector<16xf32>
        %add3A_251 = arith.constant 2 : i32
        %add3A_252 = arith.addi %mul3A_233, %add3A_251 : i32
        %get3A_253 = arith.constant 1 : i32
        %get3A_254 = arith.index_cast %get3A_253 : i32 to index
        %get3A_255 = arith.index_cast %add3A_252 : i32 to index
        %get3A_256 = arith.constant 0 : index
        %get3A_257 = tpu.vector_load %arg6[%get3A_254, %get3A_255, %get3A_256] {strides = array<i32>} : memref<4x200x16xf32, #tpu.memory_space<vmem>>, vector<1x1x16xf32>,
        %get3A_258 = vector.shape_cast %get3A_257 : vector<1x1x16xf32> to vector<16xf32>
        %add3A_259 = arith.addf %scan3A_226, %get3A_258 : vector<16xf32>
        %add3A_260 = arith.constant 3 : i32
        %add3A_261 = arith.addi %mul3A_233, %add3A_260 : i32
        %get3A_262 = arith.constant 1 : i32
        %get3A_263 = arith.index_cast %get3A_262 : i32 to index
        %get3A_264 = arith.index_cast %add3A_261 : i32 to index
        %get3A_265 = arith.constant 0 : index
        %get3A_266 = tpu.vector_load %arg6[%get3A_263, %get3A_264, %get3A_265] {strides = array<i32>} : memref<4x200x16xf32, #tpu.memory_space<vmem>>, vector<1x1x16xf32>,
        %get3A_267 = vector.shape_cast %get3A_266 : vector<1x1x16xf32> to vector<16xf32>
        %add3A_268 = arith.addf %scan3A_227, %get3A_267 : vector<16xf32>
        %add3A_269 = arith.constant 4 : i32
        %add3A_270 = arith.addi %mul3A_233, %add3A_269 : i32
        %get3A_271 = arith.constant 1 : i32
        %get3A_272 = arith.index_cast %get3A_271 : i32 to index
        %get3A_273 = arith.index_cast %add3A_270 : i32 to index
        %get3A_274 = arith.constant 0 : index
        %get3A_275 = tpu.vector_load %arg6[%get3A_272, %get3A_273, %get3A_274] {strides = array<i32>} : memref<4x200x16xf32, #tpu.memory_space<vmem>>, vector<1x1x16xf32>,
        %get3A_276 = vector.shape_cast %get3A_275 : vector<1x1x16xf32> to vector<16xf32>
        %add3A_277 = arith.addf %scan3A_228, %get3A_276 : vector<16xf32>
        %add3A_278 = arith.constant 5 : i32
        %add3A_279 = arith.addi %mul3A_233, %add3A_278 : i32
        %get3A_280 = arith.constant 1 : i32
        %get3A_281 = arith.index_cast %get3A_280 : i32 to index
        %get3A_282 = arith.index_cast %add3A_279 : i32 to index
        %get3A_283 = arith.constant 0 : index
        %get3A_284 = tpu.vector_load %arg6[%get3A_281, %get3A_282, %get3A_283] {strides = array<i32>} : memref<4x200x16xf32, #tpu.memory_space<vmem>>, vector<1x1x16xf32>,
        %get3A_285 = vector.shape_cast %get3A_284 : vector<1x1x16xf32> to vector<16xf32>
        %add3A_286 = arith.addf %scan3A_229, %get3A_285 : vector<16xf32>
        %add3A_287 = arith.constant 6 : i32
        %add3A_288 = arith.addi %mul3A_233, %add3A_287 : i32
        %get3A_289 = arith.constant 1 : i32
        %get3A_290 = arith.index_cast %get3A_289 : i32 to index
        %get3A_291 = arith.index_cast %add3A_288 : i32 to index
        %get3A_292 = arith.constant 0 : index
        %get3A_293 = tpu.vector_load %arg6[%get3A_290, %get3A_291, %get3A_292] {strides = array<i32>} : memref<4x200x16xf32, #tpu.memory_space<vmem>>, vector<1x1x16xf32>,
        %get3A_294 = vector.shape_cast %get3A_293 : vector<1x1x16xf32> to vector<16xf32>
        %add3A_295 = arith.addf %scan3A_230, %get3A_294 : vector<16xf32>
        %add3A_296 = arith.constant 7 : i32
        %add3A_297 = arith.addi %mul3A_233, %add3A_296 : i32
        %get3A_298 = arith.constant 1 : i32
        %get3A_299 = arith.index_cast %get3A_298 : i32 to index
        %get3A_300 = arith.index_cast %add3A_297 : i32 to index
        %get3A_301 = arith.constant 0 : index
        %get3A_302 = tpu.vector_load %arg6[%get3A_299, %get3A_300, %get3A_301] {strides = array<i32>} : memref<4x200x16xf32, #tpu.memory_space<vmem>>, vector<1x1x16xf32>,
        %get3A_303 = vector.shape_cast %get3A_302 : vector<1x1x16xf32> to vector<16xf32>
        %add3A_304 = arith.addf %scan3A_231, %get3A_303 : vector<16xf32>
        scf.yield %add3A_241, %add3A_250, %add3A_259, %add3A_268, %add3A_277, %add3A_286, %add3A_295, %add3A_304 : vector<16xf32>, vector<16xf32>, vector<16xf32>, vector<16xf32>, vector<16xf32>, vector<16xf32>, vector<16xf32>, vector<16xf32>
      }
      %scan3A_118 = arith.constant 25 : i32
      %add3A_119 = arith.addf %scan3A_117#0, %scan3A_117#1 : vector<16xf32>
      %add3A_120 = arith.addf %scan3A_117#2, %scan3A_117#3 : vector<16xf32>
      %add3A_121 = arith.addf %add3A_119, %add3A_120 : vector<16xf32>
      %add3A_122 = arith.addf %scan3A_117#4, %scan3A_117#5 : vector<16xf32>
      %add3A_123 = arith.addf %scan3A_117#6, %scan3A_117#7 : vector<16xf32>
      %add3A_124 = arith.addf %add3A_122, %add3A_123 : vector<16xf32>
      %add3A_125 = arith.addf %add3A_121, %add3A_124 : vector<16xf32>
      %swap3A_126 = arith.index_cast %add3A_110 : i32 to index
      %swap3A_127 = arith.constant 0 : index
      %swap3A_128 = tpu.vector_load %arg7[%swap3A_126, %swap3A_127] {strides = array<i32>} : memref<128x16xf32, #tpu.memory_space<vmem>>, vector<1x16xf32>,
      %swap3A_129 = vector.shape_cast %swap3A_128 : vector<1x16xf32> to vector<16xf32>
      %swap3A_130 = vector.shape_cast %add3A_125 : vector<16xf32> to vector<1x16xf32>
      tpu.vector_store %arg7[%swap3A_126, %swap3A_127], %swap3A_130 {strides = array<i32>} : memref<128x16xf32, #tpu.memory_space<vmem>>, vector<1x16xf32>,
      %add3A_131 = arith.constant 2 : i32
      %add3A_132 = arith.addi %mul3A_45, %add3A_131 : i32
      %add3A_133 = arith.constant 4 : i32
      %add3A_134 = arith.addi %add3A_132, %add3A_133 : i32
      %sub3A_135 = arith.constant 1 : i32
      %sub3A_136 = arith.subi %add3A_134, %sub3A_135 : i32
      %lt3A_137 = arith.constant 128 : i32
      %lt3A_138 = arith.cmpi slt, %sub3A_136, %lt3A_137 : i32
      %convert_element_type3A_139 = arith.extui %lt3A_138 : i1 to i32
      %cond3A_140 = arith.constant 0 : i32
      %cond3A_141 = arith.cmpi ne, %convert_element_type3A_139, %cond3A_140 : i32
      scf.if %cond3A_141 {
        %dma_start3A_223 = arith.constant 1 : i32
        %dma_start3A_224 = arith.constant 0 : i32
        %dma_start3A_225 = arith.constant 0 : i32
        %dma_start3A_226 = tpu.memref_slice %arg6[%dma_start3A_223, %dma_start3A_224, %dma_start3A_225] : memref<4x200x16xf32, #tpu.memory_space<vmem>> -> memref<1x200x16xf32, #tpu.memory_space<vmem>>
        %dma_start3A_227 = tpu.memref_squeeze %dma_start3A_226 : memref<1x200x16xf32, #tpu.memory_space<vmem>> -> memref<200x16xf32, #tpu.memory_space<vmem>>
        %dma_start3A_228 = arith.constant 0 : i32
        %dma_start3A_229 = tpu.memref_slice %arg5[%sub3A_136, %dma_start3A_228] : memref<128x200xi32, #tpu.memory_space<vmem>> -> memref<1x200xi32, #tpu.memory_space<vmem>>
        %dma_start3A_230 = tpu.memref_squeeze %dma_start3A_229 : memref<1x200xi32, #tpu.memory_space<vmem>> -> memref<200xi32, #tpu.memory_space<vmem>>
        %dma_start3A_231 = arith.constant 0 : i32
        %dma_start3A_232 = arith.constant 0 : i32
        %dma_start3A_233 = tpu.memref_slice %arg3[%dma_start3A_231, %dma_start3A_232] : memref<100000x16xf32, #tpu.memory_space<hbm>> -> memref<100000x16xf32, #tpu.memory_space<hbm>>
        tpu.enqueue_indirect_dma source(%dma_start3A_233 : memref<100000x16xf32, #tpu.memory_space<hbm>>) target(%dma_start3A_227 : memref<200x16xf32, #tpu.memory_space<vmem>>) offsets(%dma_start3A_230 : memref<200xi32, #tpu.memory_space<vmem>>) semaphore(%arg9 : memref<!tpu.dma_semaphore, #tpu.memory_space<semaphore_mem>>)
      } else {
      }
      %add3A_142 = arith.constant 2 : i32
      %add3A_143 = arith.addi %mul3A_45, %add3A_142 : i32
      %dma_wait3A_144 = arith.constant 2 : i32
      %dma_wait3A_145 = arith.constant 0 : i32
      %dma_wait3A_146 = arith.constant 0 : i32
      %dma_wait3A_147 = tpu.memref_slice %arg6[%dma_wait3A_144, %dma_wait3A_145, %dma_wait3A_146] : memref<4x200x16xf32, #tpu.memory_space<vmem>> -> memref<1x200x16xf32, #tpu.memory_space<vmem>>
      %dma_wait3A_148 = tpu.memref_squeeze %dma_wait3A_147 : memref<1x200x16xf32, #tpu.memory_space<vmem>> -> memref<200x16xf32, #tpu.memory_space<vmem>>
      %dma_wait3A_149 = arith.constant 0 : i32
      %dma_wait3A_150 = tpu.memref_slice %arg5[%add3A_143, %dma_wait3A_149] : memref<128x200xi32, #tpu.memory_space<vmem>> -> memref<1x200xi32, #tpu.memory_space<vmem>>
      %dma_wait3A_151 = tpu.memref_squeeze %dma_wait3A_150 : memref<1x200xi32, #tpu.memory_space<vmem>> -> memref<200xi32, #tpu.memory_space<vmem>>
      %dma_wait3A_152 = arith.constant 0 : i32
      %dma_wait3A_153 = arith.constant 0 : i32
      %dma_wait3A_154 = tpu.memref_slice %arg3[%dma_wait3A_152, %dma_wait3A_153] : memref<100000x16xf32, #tpu.memory_space<hbm>> -> memref<100000x16xf32, #tpu.memory_space<hbm>>
      tpu.wait_indirect_dma semaphore(%arg10 : memref<!tpu.dma_semaphore, #tpu.memory_space<semaphore_mem>>) src(%dma_wait3A_154 : memref<100000x16xf32, #tpu.memory_space<hbm>>) dst(%dma_wait3A_148 : memref<200x16xf32, #tpu.memory_space<vmem>>)
      %add3A_155 = arith.constant 2 : i32
      %add3A_156 = arith.addi %mul3A_45, %add3A_155 : i32
      %broadcast_in_dim3A_157 = arith.constant 0.000000e+00 : f32
      %broadcast_in_dim3A_158 = vector.broadcast %broadcast_in_dim3A_157 : f32 to vector<16xf32>
      %scan3A_159 = arith.constant 0 : i32
      %scan3A_160 = arith.constant 25 : i32
      %scan3A_161 = arith.addi %scan3A_159, %scan3A_160 : i32
      %scan3A_162 = arith.constant 1 : i32
      %scan3A_163:8 = scf.for %scan3A_223 = %scan3A_159 to %scan3A_161 step %scan3A_162 iter_args(%scan3A_224 = %broadcast_in_dim3A_158, %scan3A_225 = %broadcast_in_dim3A_158, %scan3A_226 = %broadcast_in_dim3A_158, %scan3A_227 = %broadcast_in_dim3A_158, %scan3A_228 = %broadcast_in_dim3A_158, %scan3A_229 = %broadcast_in_dim3A_158, %scan3A_230 = %broadcast_in_dim3A_158, %scan3A_231 = %broadcast_in_dim3A_158) -> (vector<16xf32>, vector<16xf32>, vector<16xf32>, vector<16xf32>, vector<16xf32>, vector<16xf32>, vector<16xf32>, vector<16xf32>)  : i32 {
        %mul3A_232 = arith.constant 8 : i32
        %mul3A_233 = arith.muli %mul3A_232, %scan3A_223 : i32
        %add3A_234 = arith.constant 0 : i32
        %add3A_235 = arith.addi %mul3A_233, %add3A_234 : i32
        %get3A = arith.constant 2 : i32
        %get3A_236 = arith.index_cast %get3A : i32 to index
        %get3A_237 = arith.index_cast %add3A_235 : i32 to index
        %get3A_238 = arith.constant 0 : index
        %get3A_239 = tpu.vector_load %arg6[%get3A_236, %get3A_237, %get3A_238] {strides = array<i32>} : memref<4x200x16xf32, #tpu.memory_space<vmem>>, vector<1x1x16xf32>,
        %get3A_240 = vector.shape_cast %get3A_239 : vector<1x1x16xf32> to vector<16xf32>
        %add3A_241 = arith.addf %scan3A_224, %get3A_240 : vector<16xf32>
        %add3A_242 = arith.constant 1 : i32
        %add3A_243 = arith.addi %mul3A_233, %add3A_242 : i32
        %get3A_244 = arith.constant 2 : i32
        %get3A_245 = arith.index_cast %get3A_244 : i32 to index
        %get3A_246 = arith.index_cast %add3A_243 : i32 to index
        %get3A_247 = arith.constant 0 : index
        %get3A_248 = tpu.vector_load %arg6[%get3A_245, %get3A_246, %get3A_247] {strides = array<i32>} : memref<4x200x16xf32, #tpu.memory_space<vmem>>, vector<1x1x16xf32>,
        %get3A_249 = vector.shape_cast %get3A_248 : vector<1x1x16xf32> to vector<16xf32>
        %add3A_250 = arith.addf %scan3A_225, %get3A_249 : vector<16xf32>
        %add3A_251 = arith.constant 2 : i32
        %add3A_252 = arith.addi %mul3A_233, %add3A_251 : i32
        %get3A_253 = arith.constant 2 : i32
        %get3A_254 = arith.index_cast %get3A_253 : i32 to index
        %get3A_255 = arith.index_cast %add3A_252 : i32 to index
        %get3A_256 = arith.constant 0 : index
        %get3A_257 = tpu.vector_load %arg6[%get3A_254, %get3A_255, %get3A_256] {strides = array<i32>} : memref<4x200x16xf32, #tpu.memory_space<vmem>>, vector<1x1x16xf32>,
        %get3A_258 = vector.shape_cast %get3A_257 : vector<1x1x16xf32> to vector<16xf32>
        %add3A_259 = arith.addf %scan3A_226, %get3A_258 : vector<16xf32>
        %add3A_260 = arith.constant 3 : i32
        %add3A_261 = arith.addi %mul3A_233, %add3A_260 : i32
        %get3A_262 = arith.constant 2 : i32
        %get3A_263 = arith.index_cast %get3A_262 : i32 to index
        %get3A_264 = arith.index_cast %add3A_261 : i32 to index
        %get3A_265 = arith.constant 0 : index
        %get3A_266 = tpu.vector_load %arg6[%get3A_263, %get3A_264, %get3A_265] {strides = array<i32>} : memref<4x200x16xf32, #tpu.memory_space<vmem>>, vector<1x1x16xf32>,
        %get3A_267 = vector.shape_cast %get3A_266 : vector<1x1x16xf32> to vector<16xf32>
        %add3A_268 = arith.addf %scan3A_227, %get3A_267 : vector<16xf32>
        %add3A_269 = arith.constant 4 : i32
        %add3A_270 = arith.addi %mul3A_233, %add3A_269 : i32
        %get3A_271 = arith.constant 2 : i32
        %get3A_272 = arith.index_cast %get3A_271 : i32 to index
        %get3A_273 = arith.index_cast %add3A_270 : i32 to index
        %get3A_274 = arith.constant 0 : index
        %get3A_275 = tpu.vector_load %arg6[%get3A_272, %get3A_273, %get3A_274] {strides = array<i32>} : memref<4x200x16xf32, #tpu.memory_space<vmem>>, vector<1x1x16xf32>,
        %get3A_276 = vector.shape_cast %get3A_275 : vector<1x1x16xf32> to vector<16xf32>
        %add3A_277 = arith.addf %scan3A_228, %get3A_276 : vector<16xf32>
        %add3A_278 = arith.constant 5 : i32
        %add3A_279 = arith.addi %mul3A_233, %add3A_278 : i32
        %get3A_280 = arith.constant 2 : i32
        %get3A_281 = arith.index_cast %get3A_280 : i32 to index
        %get3A_282 = arith.index_cast %add3A_279 : i32 to index
        %get3A_283 = arith.constant 0 : index
        %get3A_284 = tpu.vector_load %arg6[%get3A_281, %get3A_282, %get3A_283] {strides = array<i32>} : memref<4x200x16xf32, #tpu.memory_space<vmem>>, vector<1x1x16xf32>,
        %get3A_285 = vector.shape_cast %get3A_284 : vector<1x1x16xf32> to vector<16xf32>
        %add3A_286 = arith.addf %scan3A_229, %get3A_285 : vector<16xf32>
        %add3A_287 = arith.constant 6 : i32
        %add3A_288 = arith.addi %mul3A_233, %add3A_287 : i32
        %get3A_289 = arith.constant 2 : i32
        %get3A_290 = arith.index_cast %get3A_289 : i32 to index
        %get3A_291 = arith.index_cast %add3A_288 : i32 to index
        %get3A_292 = arith.constant 0 : index
        %get3A_293 = tpu.vector_load %arg6[%get3A_290, %get3A_291, %get3A_292] {strides = array<i32>} : memref<4x200x16xf32, #tpu.memory_space<vmem>>, vector<1x1x16xf32>,
        %get3A_294 = vector.shape_cast %get3A_293 : vector<1x1x16xf32> to vector<16xf32>
        %add3A_295 = arith.addf %scan3A_230, %get3A_294 : vector<16xf32>
        %add3A_296 = arith.constant 7 : i32
        %add3A_297 = arith.addi %mul3A_233, %add3A_296 : i32
        %get3A_298 = arith.constant 2 : i32
        %get3A_299 = arith.index_cast %get3A_298 : i32 to index
        %get3A_300 = arith.index_cast %add3A_297 : i32 to index
        %get3A_301 = arith.constant 0 : index
        %get3A_302 = tpu.vector_load %arg6[%get3A_299, %get3A_300, %get3A_301] {strides = array<i32>} : memref<4x200x16xf32, #tpu.memory_space<vmem>>, vector<1x1x16xf32>,
        %get3A_303 = vector.shape_cast %get3A_302 : vector<1x1x16xf32> to vector<16xf32>
        %add3A_304 = arith.addf %scan3A_231, %get3A_303 : vector<16xf32>
        scf.yield %add3A_241, %add3A_250, %add3A_259, %add3A_268, %add3A_277, %add3A_286, %add3A_295, %add3A_304 : vector<16xf32>, vector<16xf32>, vector<16xf32>, vector<16xf32>, vector<16xf32>, vector<16xf32>, vector<16xf32>, vector<16xf32>
      }
      %scan3A_164 = arith.constant 25 : i32
      %add3A_165 = arith.addf %scan3A_163#0, %scan3A_163#1 : vector<16xf32>
      %add3A_166 = arith.addf %scan3A_163#2, %scan3A_163#3 : vector<16xf32>
      %add3A_167 = arith.addf %add3A_165, %add3A_166 : vector<16xf32>
      %add3A_168 = arith.addf %scan3A_163#4, %scan3A_163#5 : vector<16xf32>
      %add3A_169 = arith.addf %scan3A_163#6, %scan3A_163#7 : vector<16xf32>
      %add3A_170 = arith.addf %add3A_168, %add3A_169 : vector<16xf32>
      %add3A_171 = arith.addf %add3A_167, %add3A_170 : vector<16xf32>
      %swap3A_172 = arith.index_cast %add3A_156 : i32 to index
      %swap3A_173 = arith.constant 0 : index
      %swap3A_174 = tpu.vector_load %arg7[%swap3A_172, %swap3A_173] {strides = array<i32>} : memref<128x16xf32, #tpu.memory_space<vmem>>, vector<1x16xf32>,
      %swap3A_175 = vector.shape_cast %swap3A_174 : vector<1x16xf32> to vector<16xf32>
      %swap3A_176 = vector.shape_cast %add3A_171 : vector<16xf32> to vector<1x16xf32>
      tpu.vector_store %arg7[%swap3A_172, %swap3A_173], %swap3A_176 {strides = array<i32>} : memref<128x16xf32, #tpu.memory_space<vmem>>, vector<1x16xf32>,
      %add3A_177 = arith.constant 3 : i32
      %add3A_178 = arith.addi %mul3A_45, %add3A_177 : i32
      %add3A_179 = arith.constant 4 : i32
      %add3A_180 = arith.addi %add3A_178, %add3A_179 : i32
      %sub3A_181 = arith.constant 1 : i32
      %sub3A_182 = arith.subi %add3A_180, %sub3A_181 : i32
      %lt3A_183 = arith.constant 128 : i32
      %lt3A_184 = arith.cmpi slt, %sub3A_182, %lt3A_183 : i32
      %convert_element_type3A_185 = arith.extui %lt3A_184 : i1 to i32
      %cond3A_186 = arith.constant 0 : i32
      %cond3A_187 = arith.cmpi ne, %convert_element_type3A_185, %cond3A_186 : i32
      scf.if %cond3A_187 {
        %dma_start3A_223 = arith.constant 2 : i32
        %dma_start3A_224 = arith.constant 0 : i32
        %dma_start3A_225 = arith.constant 0 : i32
        %dma_start3A_226 = tpu.memref_slice %arg6[%dma_start3A_223, %dma_start3A_224, %dma_start3A_225] : memref<4x200x16xf32, #tpu.memory_space<vmem>> -> memref<1x200x16xf32, #tpu.memory_space<vmem>>
        %dma_start3A_227 = tpu.memref_squeeze %dma_start3A_226 : memref<1x200x16xf32, #tpu.memory_space<vmem>> -> memref<200x16xf32, #tpu.memory_space<vmem>>
        %dma_start3A_228 = arith.constant 0 : i32
        %dma_start3A_229 = tpu.memref_slice %arg5[%sub3A_182, %dma_start3A_228] : memref<128x200xi32, #tpu.memory_space<vmem>> -> memref<1x200xi32, #tpu.memory_space<vmem>>
        %dma_start3A_230 = tpu.memref_squeeze %dma_start3A_229 : memref<1x200xi32, #tpu.memory_space<vmem>> -> memref<200xi32, #tpu.memory_space<vmem>>
        %dma_start3A_231 = arith.constant 0 : i32
        %dma_start3A_232 = arith.constant 0 : i32
        %dma_start3A_233 = tpu.memref_slice %arg3[%dma_start3A_231, %dma_start3A_232] : memref<100000x16xf32, #tpu.memory_space<hbm>> -> memref<100000x16xf32, #tpu.memory_space<hbm>>
        tpu.enqueue_indirect_dma source(%dma_start3A_233 : memref<100000x16xf32, #tpu.memory_space<hbm>>) target(%dma_start3A_227 : memref<200x16xf32, #tpu.memory_space<vmem>>) offsets(%dma_start3A_230 : memref<200xi32, #tpu.memory_space<vmem>>) semaphore(%arg10 : memref<!tpu.dma_semaphore, #tpu.memory_space<semaphore_mem>>)
      } else {
      }
      %add3A_188 = arith.constant 3 : i32
      %add3A_189 = arith.addi %mul3A_45, %add3A_188 : i32
      %dma_wait3A_190 = arith.constant 3 : i32
      %dma_wait3A_191 = arith.constant 0 : i32
      %dma_wait3A_192 = arith.constant 0 : i32
      %dma_wait3A_193 = tpu.memref_slice %arg6[%dma_wait3A_190, %dma_wait3A_191, %dma_wait3A_192] : memref<4x200x16xf32, #tpu.memory_space<vmem>> -> memref<1x200x16xf32, #tpu.memory_space<vmem>>
      %dma_wait3A_194 = tpu.memref_squeeze %dma_wait3A_193 : memref<1x200x16xf32, #tpu.memory_space<vmem>> -> memref<200x16xf32, #tpu.memory_space<vmem>>
      %dma_wait3A_195 = arith.constant 0 : i32
      %dma_wait3A_196 = tpu.memref_slice %arg5[%add3A_189, %dma_wait3A_195] : memref<128x200xi32, #tpu.memory_space<vmem>> -> memref<1x200xi32, #tpu.memory_space<vmem>>
      %dma_wait3A_197 = tpu.memref_squeeze %dma_wait3A_196 : memref<1x200xi32, #tpu.memory_space<vmem>> -> memref<200xi32, #tpu.memory_space<vmem>>
      %dma_wait3A_198 = arith.constant 0 : i32
      %dma_wait3A_199 = arith.constant 0 : i32
      %dma_wait3A_200 = tpu.memref_slice %arg3[%dma_wait3A_198, %dma_wait3A_199] : memref<100000x16xf32, #tpu.memory_space<hbm>> -> memref<100000x16xf32, #tpu.memory_space<hbm>>
      tpu.wait_indirect_dma semaphore(%arg11 : memref<!tpu.dma_semaphore, #tpu.memory_space<semaphore_mem>>) src(%dma_wait3A_200 : memref<100000x16xf32, #tpu.memory_space<hbm>>) dst(%dma_wait3A_194 : memref<200x16xf32, #tpu.memory_space<vmem>>)
      %add3A_201 = arith.constant 3 : i32
      %add3A_202 = arith.addi %mul3A_45, %add3A_201 : i32
      %broadcast_in_dim3A_203 = arith.constant 0.000000e+00 : f32
      %broadcast_in_dim3A_204 = vector.broadcast %broadcast_in_dim3A_203 : f32 to vector<16xf32>
      %scan3A_205 = arith.constant 0 : i32
      %scan3A_206 = arith.constant 25 : i32
      %scan3A_207 = arith.addi %scan3A_205, %scan3A_206 : i32
      %scan3A_208 = arith.constant 1 : i32
      %scan3A_209:8 = scf.for %scan3A_223 = %scan3A_205 to %scan3A_207 step %scan3A_208 iter_args(%scan3A_224 = %broadcast_in_dim3A_204, %scan3A_225 = %broadcast_in_dim3A_204, %scan3A_226 = %broadcast_in_dim3A_204, %scan3A_227 = %broadcast_in_dim3A_204, %scan3A_228 = %broadcast_in_dim3A_204, %scan3A_229 = %broadcast_in_dim3A_204, %scan3A_230 = %broadcast_in_dim3A_204, %scan3A_231 = %broadcast_in_dim3A_204) -> (vector<16xf32>, vector<16xf32>, vector<16xf32>, vector<16xf32>, vector<16xf32>, vector<16xf32>, vector<16xf32>, vector<16xf32>)  : i32 {
        %mul3A_232 = arith.constant 8 : i32
        %mul3A_233 = arith.muli %mul3A_232, %scan3A_223 : i32
        %add3A_234 = arith.constant 0 : i32
        %add3A_235 = arith.addi %mul3A_233, %add3A_234 : i32
        %get3A = arith.constant 3 : i32
        %get3A_236 = arith.index_cast %get3A : i32 to index
        %get3A_237 = arith.index_cast %add3A_235 : i32 to index
        %get3A_238 = arith.constant 0 : index
        %get3A_239 = tpu.vector_load %arg6[%get3A_236, %get3A_237, %get3A_238] {strides = array<i32>} : memref<4x200x16xf32, #tpu.memory_space<vmem>>, vector<1x1x16xf32>,
        %get3A_240 = vector.shape_cast %get3A_239 : vector<1x1x16xf32> to vector<16xf32>
        %add3A_241 = arith.addf %scan3A_224, %get3A_240 : vector<16xf32>
        %add3A_242 = arith.constant 1 : i32
        %add3A_243 = arith.addi %mul3A_233, %add3A_242 : i32
        %get3A_244 = arith.constant 3 : i32
        %get3A_245 = arith.index_cast %get3A_244 : i32 to index
        %get3A_246 = arith.index_cast %add3A_243 : i32 to index
        %get3A_247 = arith.constant 0 : index
        %get3A_248 = tpu.vector_load %arg6[%get3A_245, %get3A_246, %get3A_247] {strides = array<i32>} : memref<4x200x16xf32, #tpu.memory_space<vmem>>, vector<1x1x16xf32>,
        %get3A_249 = vector.shape_cast %get3A_248 : vector<1x1x16xf32> to vector<16xf32>
        %add3A_250 = arith.addf %scan3A_225, %get3A_249 : vector<16xf32>
        %add3A_251 = arith.constant 2 : i32
        %add3A_252 = arith.addi %mul3A_233, %add3A_251 : i32
        %get3A_253 = arith.constant 3 : i32
        %get3A_254 = arith.index_cast %get3A_253 : i32 to index
        %get3A_255 = arith.index_cast %add3A_252 : i32 to index
        %get3A_256 = arith.constant 0 : index
        %get3A_257 = tpu.vector_load %arg6[%get3A_254, %get3A_255, %get3A_256] {strides = array<i32>} : memref<4x200x16xf32, #tpu.memory_space<vmem>>, vector<1x1x16xf32>,
        %get3A_258 = vector.shape_cast %get3A_257 : vector<1x1x16xf32> to vector<16xf32>
        %add3A_259 = arith.addf %scan3A_226, %get3A_258 : vector<16xf32>
        %add3A_260 = arith.constant 3 : i32
        %add3A_261 = arith.addi %mul3A_233, %add3A_260 : i32
        %get3A_262 = arith.constant 3 : i32
        %get3A_263 = arith.index_cast %get3A_262 : i32 to index
        %get3A_264 = arith.index_cast %add3A_261 : i32 to index
        %get3A_265 = arith.constant 0 : index
        %get3A_266 = tpu.vector_load %arg6[%get3A_263, %get3A_264, %get3A_265] {strides = array<i32>} : memref<4x200x16xf32, #tpu.memory_space<vmem>>, vector<1x1x16xf32>,
        %get3A_267 = vector.shape_cast %get3A_266 : vector<1x1x16xf32> to vector<16xf32>
        %add3A_268 = arith.addf %scan3A_227, %get3A_267 : vector<16xf32>
        %add3A_269 = arith.constant 4 : i32
        %add3A_270 = arith.addi %mul3A_233, %add3A_269 : i32
        %get3A_271 = arith.constant 3 : i32
        %get3A_272 = arith.index_cast %get3A_271 : i32 to index
        %get3A_273 = arith.index_cast %add3A_270 : i32 to index
        %get3A_274 = arith.constant 0 : index
        %get3A_275 = tpu.vector_load %arg6[%get3A_272, %get3A_273, %get3A_274] {strides = array<i32>} : memref<4x200x16xf32, #tpu.memory_space<vmem>>, vector<1x1x16xf32>,
        %get3A_276 = vector.shape_cast %get3A_275 : vector<1x1x16xf32> to vector<16xf32>
        %add3A_277 = arith.addf %scan3A_228, %get3A_276 : vector<16xf32>
        %add3A_278 = arith.constant 5 : i32
        %add3A_279 = arith.addi %mul3A_233, %add3A_278 : i32
        %get3A_280 = arith.constant 3 : i32
        %get3A_281 = arith.index_cast %get3A_280 : i32 to index
        %get3A_282 = arith.index_cast %add3A_279 : i32 to index
        %get3A_283 = arith.constant 0 : index
        %get3A_284 = tpu.vector_load %arg6[%get3A_281, %get3A_282, %get3A_283] {strides = array<i32>} : memref<4x200x16xf32, #tpu.memory_space<vmem>>, vector<1x1x16xf32>,
        %get3A_285 = vector.shape_cast %get3A_284 : vector<1x1x16xf32> to vector<16xf32>
        %add3A_286 = arith.addf %scan3A_229, %get3A_285 : vector<16xf32>
        %add3A_287 = arith.constant 6 : i32
        %add3A_288 = arith.addi %mul3A_233, %add3A_287 : i32
        %get3A_289 = arith.constant 3 : i32
        %get3A_290 = arith.index_cast %get3A_289 : i32 to index
        %get3A_291 = arith.index_cast %add3A_288 : i32 to index
        %get3A_292 = arith.constant 0 : index
        %get3A_293 = tpu.vector_load %arg6[%get3A_290, %get3A_291, %get3A_292] {strides = array<i32>} : memref<4x200x16xf32, #tpu.memory_space<vmem>>, vector<1x1x16xf32>,
        %get3A_294 = vector.shape_cast %get3A_293 : vector<1x1x16xf32> to vector<16xf32>
        %add3A_295 = arith.addf %scan3A_230, %get3A_294 : vector<16xf32>
        %add3A_296 = arith.constant 7 : i32
        %add3A_297 = arith.addi %mul3A_233, %add3A_296 : i32
        %get3A_298 = arith.constant 3 : i32
        %get3A_299 = arith.index_cast %get3A_298 : i32 to index
        %get3A_300 = arith.index_cast %add3A_297 : i32 to index
        %get3A_301 = arith.constant 0 : index
        %get3A_302 = tpu.vector_load %arg6[%get3A_299, %get3A_300, %get3A_301] {strides = array<i32>} : memref<4x200x16xf32, #tpu.memory_space<vmem>>, vector<1x1x16xf32>,
        %get3A_303 = vector.shape_cast %get3A_302 : vector<1x1x16xf32> to vector<16xf32>
        %add3A_304 = arith.addf %scan3A_231, %get3A_303 : vector<16xf32>
        scf.yield %add3A_241, %add3A_250, %add3A_259, %add3A_268, %add3A_277, %add3A_286, %add3A_295, %add3A_304 : vector<16xf32>, vector<16xf32>, vector<16xf32>, vector<16xf32>, vector<16xf32>, vector<16xf32>, vector<16xf32>, vector<16xf32>
      }
      %scan3A_210 = arith.constant 25 : i32
      %add3A_211 = arith.addf %scan3A_209#0, %scan3A_209#1 : vector<16xf32>
      %add3A_212 = arith.addf %scan3A_209#2, %scan3A_209#3 : vector<16xf32>
      %add3A_213 = arith.addf %add3A_211, %add3A_212 : vector<16xf32>
      %add3A_214 = arith.addf %scan3A_209#4, %scan3A_209#5 : vector<16xf32>
      %add3A_215 = arith.addf %scan3A_209#6, %scan3A_209#7 : vector<16xf32>
      %add3A_216 = arith.addf %add3A_214, %add3A_215 : vector<16xf32>
      %add3A_217 = arith.addf %add3A_213, %add3A_216 : vector<16xf32>
      %swap3A_218 = arith.index_cast %add3A_202 : i32 to index
      %swap3A_219 = arith.constant 0 : index
      %swap3A_220 = tpu.vector_load %arg7[%swap3A_218, %swap3A_219] {strides = array<i32>} : memref<128x16xf32, #tpu.memory_space<vmem>>, vector<1x16xf32>,
      %swap3A_221 = vector.shape_cast %swap3A_220 : vector<1x16xf32> to vector<16xf32>
      %swap3A_222 = vector.shape_cast %add3A_217 : vector<16xf32> to vector<1x16xf32>
      tpu.vector_store %arg7[%swap3A_218, %swap3A_219], %swap3A_222 {strides = array<i32>} : memref<128x16xf32, #tpu.memory_space<vmem>>, vector<1x16xf32>,
    }
    %scan3A_42 = arith.constant 32 : i32
    "tpu.region"() ({
      %run_scoped3A = tpu.sem_alloc : memref<!tpu.dma_semaphore, #tpu.memory_space<semaphore_mem>>
      %dma_start3A_43 = arith.constant 0 : i32
      %dma_start3A_44 = tpu.memref_slice %arg4[%mul3A_2, %dma_start3A_43] : memref<4096x16xf32, #tpu.memory_space<hbm>> -> memref<128x16xf32, #tpu.memory_space<hbm>>
      %dma_start3A_45 = arith.constant 0 : i32
      %dma_start3A_46 = tpu.memref_slice %arg4[%mul3A_2, %dma_start3A_45] : memref<4096x16xf32, #tpu.memory_space<hbm>> -> memref<128x16xf32, #tpu.memory_space<hbm>>
      tpu.enqueue_dma source(%arg7 : memref<128x16xf32, #tpu.memory_space<vmem>>) target(%dma_start3A_46 : memref<128x16xf32, #tpu.memory_space<hbm>>) target_semaphore(%run_scoped3A : memref<!tpu.dma_semaphore, #tpu.memory_space<semaphore_mem>>)
      %dma_wait3A = arith.constant 0 : i32
      %dma_wait3A_47 = tpu.memref_slice %arg4[%mul3A_2, %dma_wait3A] : memref<4096x16xf32, #tpu.memory_space<hbm>> -> memref<128x16xf32, #tpu.memory_space<hbm>>
      %dma_wait3A_48 = arith.constant 0 : i32
      %dma_wait3A_49 = tpu.memref_slice %arg4[%mul3A_2, %dma_wait3A_48] : memref<4096x16xf32, #tpu.memory_space<hbm>> -> memref<128x16xf32, #tpu.memory_space<hbm>>
      tpu.wait_dma2 semaphore(%run_scoped3A : memref<!tpu.dma_semaphore, #tpu.memory_space<semaphore_mem>>) src(%arg7 : memref<128x16xf32, #tpu.memory_space<vmem>>) dst(%dma_wait3A_49 : memref<128x16xf32, #tpu.memory_space<hbm>>)
      tpu.yield
    }) : () -> ()
    return
  }
}

module attributes {stable_mosaic.version = 14 : i64} {
  func.func @_fold_body(%arg0: i32, %arg1: memref<20000x128xf32, #tpu.memory_space<vmem>>, %arg2: memref<128x128xf32, #tpu.memory_space<vmem>>, %arg3: memref<4x128xf32, #tpu.memory_space<vmem>>, %arg4: memref<1024x128xf32, #tpu.memory_space<vmem>>, %arg5: memref<16x128xf32, #tpu.memory_space<vmem>>, %arg6: memref<1024x128xf32, #tpu.memory_space<vmem>>, %arg7: memref<1x2500x128xf32, #tpu.memory_space<vmem>>) attributes {dimension_semantics = [#tpu.dimension_semantics<arbitrary>], iteration_bounds = array<i64: 5>, scalar_prefetch = 0 : i64, scratch_operands = 0 : i64, tpu.core_type = #tpu.core_type<tc>, window_params = [{transform_indices = @transform_0, window_bounds = array<i64: 20000, 128>}, {pipeline_mode = #tpu.pipeline_mode<synchronous>, transform_indices = @transform_1, window_bounds = array<i64: 128, 128>}, {pipeline_mode = #tpu.pipeline_mode<synchronous>, transform_indices = @transform_2, window_bounds = array<i64: 4, 128>}, {pipeline_mode = #tpu.pipeline_mode<synchronous>, transform_indices = @transform_3, window_bounds = array<i64: 1024, 128>}, {pipeline_mode = #tpu.pipeline_mode<synchronous>, transform_indices = @transform_4, window_bounds = array<i64: 16, 128>}, {pipeline_mode = #tpu.pipeline_mode<synchronous>, transform_indices = @transform_5, window_bounds = array<i64: 1024, 128>}, {transform_indices = @transform_6, window_bounds = array<i64: 1, 2500, 128>}]} {
    %get3A = arith.constant 0 : index
    %get3A_0 = arith.constant 0 : index
    %get3A_1 = vector.load %arg3[%get3A, %get3A_0] : memref<4x128xf32, #tpu.memory_space<vmem>>, vector<4x128xf32>
    %broadcast_in_dim3A = arith.constant 0.000000e+00 : f32
    %broadcast_in_dim3A_2 = vector.broadcast %broadcast_in_dim3A : f32 to vector<12x128xf32>
    %concatenate3A = tpu.concatenate %get3A_1, %broadcast_in_dim3A_2 in 0 : vector<4x128xf32>, vector<12x128xf32> -> vector<16x128xf32>
    %get3A_3 = arith.constant 0 : index
    %get3A_4 = arith.constant 0 : index
    %get3A_5 = vector.load %arg2[%get3A_3, %get3A_4] : memref<128x128xf32, #tpu.memory_space<vmem>>, vector<128x128xf32>
    %dot_general3A = arith.constant dense<0.000000e+00> : vector<128x16xf32>
    %dot_general3A_6 = tpu.matmul %get3A_5, %concatenate3A, %dot_general3A {dimension_numbers = #tpu.dot_dimension_numbers<[0], [1], [1], [0], [0, 1, 1, 0], [], []>, transpose_lhs_hint = false} : vector<128x128xf32>, vector<16x128xf32>, vector<128x16xf32> -> vector<128x16xf32>
    %get3A_7 = arith.constant 0 : index
    %get3A_8 = arith.constant 0 : index
    %get3A_9 = vector.load %arg4[%get3A_7, %get3A_8] : memref<1024x128xf32, #tpu.memory_space<vmem>>, vector<1024x128xf32>
    %dot_general3A_10 = arith.constant dense<0.000000e+00> : vector<1024x16xf32>
    %dot_general3A_11 = tpu.matmul %get3A_9, %dot_general3A_6, %dot_general3A_10 {dimension_numbers = #tpu.dot_dimension_numbers<[1], [0], [0], [1], [0, 0, 1, 1], [], []>, transpose_lhs_hint = false} : vector<1024x128xf32>, vector<128x16xf32>, vector<1024x16xf32> -> vector<1024x16xf32>
    %get3A_12 = arith.constant 0 : index
    %get3A_13 = arith.constant 0 : index
    %get3A_14 = vector.load %arg5[%get3A_12, %get3A_13] : memref<16x128xf32, #tpu.memory_space<vmem>>, vector<16x128xf32>
    %dot_general3A_15 = arith.constant dense<0.000000e+00> : vector<1024x128xf32>
    %dot_general3A_16 = tpu.matmul %dot_general3A_11, %get3A_14, %dot_general3A_15 {dimension_numbers = #tpu.dot_dimension_numbers<[1], [0], [0], [1], [0, 0, 1, 1], [], []>, transpose_lhs_hint = false} : vector<1024x16xf32>, vector<16x128xf32>, vector<1024x128xf32> -> vector<1024x128xf32>
    %get3A_17 = arith.constant 0 : index
    %get3A_18 = arith.constant 0 : index
    %get3A_19 = vector.load %arg6[%get3A_17, %get3A_18] : memref<1024x128xf32, #tpu.memory_space<vmem>>, vector<1024x128xf32>
    %mul3A = arith.mulf %dot_general3A_16, %get3A_19 : vector<1024x128xf32>
    %get3A_20 = arith.constant 0 : index
    %get3A_21 = arith.constant 0 : index
    %get3A_22 = vector.load %arg1[%get3A_20, %get3A_21] : memref<20000x128xf32, #tpu.memory_space<vmem>>, vector<20000x128xf32>
    %reshape3A = vector.shape_cast %get3A_22 : vector<20000x128xf32> to vector<2500x1024xf32>
    %dot_general3A_23 = arith.constant dense<0.000000e+00> : vector<2500x128xf32>
    %dot_general3A_24 = tpu.matmul %reshape3A, %mul3A, %dot_general3A_23 {dimension_numbers = #tpu.dot_dimension_numbers<[1], [0], [0], [1], [0, 0, 1, 1], [], []>, transpose_lhs_hint = false} : vector<2500x1024xf32>, vector<1024x128xf32>, vector<2500x128xf32> -> vector<2500x128xf32>
    %reshape3A_25 = vector.shape_cast %dot_general3A_24 : vector<2500x128xf32> to vector<1x2500x128xf32>
    %swap3A = arith.constant 0 : index
    %swap3A_26 = arith.constant 0 : index
    %swap3A_27 = arith.constant 0 : index
    %swap3A_28 = vector.load %arg7[%swap3A, %swap3A_26, %swap3A_27] : memref<1x2500x128xf32, #tpu.memory_space<vmem>>, vector<1x2500x128xf32>
    tpu.vector_store %arg7[%swap3A, %swap3A_26, %swap3A_27], %reshape3A_25 {strides = array<i32>} : memref<1x2500x128xf32, #tpu.memory_space<vmem>>, vector<1x2500x128xf32>,
    return
  }
  func.func @transform_0(%arg0: i32) -> (i32, i32) {
    %c0_i32 = arith.constant 0 : i32
    %c0_i32_0 = arith.constant 0 : i32
    return %arg0, %c0_i32 : i32, i32
  }
  func.func @transform_1(%arg0: i32) -> (i32, i32) {
    %c0_i32 = arith.constant 0 : i32
    %c0_i32_0 = arith.constant 0 : i32
    %c0_i32_1 = arith.constant 0 : i32
    return %c0_i32, %c0_i32_0 : i32, i32
  }
  func.func @transform_2(%arg0: i32) -> (i32, i32) {
    %c0_i32 = arith.constant 0 : i32
    %c0_i32_0 = arith.constant 0 : i32
    %c0_i32_1 = arith.constant 0 : i32
    return %c0_i32, %c0_i32_0 : i32, i32
  }
  func.func @transform_3(%arg0: i32) -> (i32, i32) {
    %c0_i32 = arith.constant 0 : i32
    %c0_i32_0 = arith.constant 0 : i32
    %c0_i32_1 = arith.constant 0 : i32
    return %c0_i32, %c0_i32_0 : i32, i32
  }
  func.func @transform_4(%arg0: i32) -> (i32, i32) {
    %c0_i32 = arith.constant 0 : i32
    %c0_i32_0 = arith.constant 0 : i32
    %c0_i32_1 = arith.constant 0 : i32
    return %c0_i32, %c0_i32_0 : i32, i32
  }
  func.func @transform_5(%arg0: i32) -> (i32, i32) {
    %c0_i32 = arith.constant 0 : i32
    %c0_i32_0 = arith.constant 0 : i32
    %c0_i32_1 = arith.constant 0 : i32
    return %c0_i32, %c0_i32_0 : i32, i32
  }
  func.func @transform_6(%arg0: i32) -> (i32, i32, i32) {
    %c0_i32 = arith.constant 0 : i32
    %c0_i32_0 = arith.constant 0 : i32
    %c0_i32_1 = arith.constant 0 : i32
    return %arg0, %c0_i32, %c0_i32_0 : i32, i32, i32
  }
}

module attributes {stable_mosaic.version = 14 : i64} {
  func.func @_head_body(%arg0: memref<4096x16xf32, #tpu.memory_space<vmem>>, %arg1: memref<4x128xf32, #tpu.memory_space<vmem>>, %arg2: memref<1x128xf32, #tpu.memory_space<vmem>>, %arg3: memref<1x4xf32, #tpu.memory_space<vmem>>, %arg4: memref<4096x4xf32, #tpu.memory_space<vmem>>) attributes {dimension_semantics = [], scalar_prefetch = 0 : i64, scratch_operands = 0 : i64, tpu.core_type = #tpu.core_type<tc>} {
    %get3A = arith.constant 0 : index
    %get3A_0 = arith.constant 0 : index
    %get3A_1 = vector.load %arg2[%get3A, %get3A_0] : memref<1x128xf32, #tpu.memory_space<vmem>>, vector<1x128xf32>
    %get3A_2 = arith.constant 0 : index
    %get3A_3 = arith.constant 0 : index
    %get3A_4 = vector.load %arg1[%get3A_2, %get3A_3] : memref<4x128xf32, #tpu.memory_space<vmem>>, vector<4x128xf32>
    %dot_general3A = arith.constant dense<0.000000e+00> : vector<1x4xf32>
    %dot_general3A_5 = tpu.matmul %get3A_1, %get3A_4, %dot_general3A {dimension_numbers = #tpu.dot_dimension_numbers<[1], [1], [0], [0], [0, 0, 1, 0], [], []>, transpose_lhs_hint = false} : vector<1x128xf32>, vector<4x128xf32>, vector<1x4xf32> -> vector<1x4xf32>
    %get3A_6 = arith.constant 0 : index
    %get3A_7 = arith.constant 0 : index
    %get3A_8 = vector.load %arg3[%get3A_6, %get3A_7] : memref<1x4xf32, #tpu.memory_space<vmem>>, vector<1x4xf32>
    %add3A = arith.addf %dot_general3A_5, %get3A_8 : vector<1x4xf32>
    %get3A_9 = arith.constant 0 : index
    %get3A_10 = arith.constant 0 : index
    %get3A_11 = vector.load %arg0[%get3A_9, %get3A_10] : memref<4096x16xf32, #tpu.memory_space<vmem>>, vector<4096x4xf32>
    %mul3A = arith.constant 5.000000e-03 : f32
    %mul3A_12 = vector.broadcast %mul3A : f32 to vector<4096x4xf32>
    %mul3A_13 = arith.mulf %get3A_11, %mul3A_12 : vector<4096x4xf32>
    %add3A_14 = vector.broadcast %add3A : vector<1x4xf32> to vector<4096x4xf32>
    %add3A_15 = arith.addf %mul3A_13, %add3A_14 : vector<4096x4xf32>
    %reduce_max3A = arith.constant dense<0xFF800000> : vector<4096xf32>
    %reduce_max3A_16 = vector.multi_reduction <maximumf>, %add3A_15, %reduce_max3A [1] : vector<4096x4xf32> to vector<4096xf32>
    %broadcast_in_dim3A = vector.shape_cast %reduce_max3A_16 : vector<4096xf32> to vector<4096x1xf32>
    %sub3A = vector.broadcast %broadcast_in_dim3A : vector<4096x1xf32> to vector<4096x4xf32>
    %sub3A_17 = arith.subf %add3A_15, %sub3A : vector<4096x4xf32>
    %exp3A = math.exp %sub3A_17 : vector<4096x4xf32>
    %reduce_sum3A = arith.constant dense<0.000000e+00> : vector<4096xf32>
    %reduce_sum3A_18 = vector.multi_reduction <add>, %exp3A, %reduce_sum3A [1] : vector<4096x4xf32> to vector<4096xf32>
    %broadcast_in_dim3A_19 = vector.shape_cast %reduce_sum3A_18 : vector<4096xf32> to vector<4096x1xf32>
    %log3A = math.log %broadcast_in_dim3A_19 : vector<4096x1xf32>
    %add3A_20 = arith.addf %log3A, %broadcast_in_dim3A : vector<4096x1xf32>
    %sub3A_21 = vector.broadcast %add3A_20 : vector<4096x1xf32> to vector<4096x4xf32>
    %sub3A_22 = arith.subf %add3A_15, %sub3A_21 : vector<4096x4xf32>
    %swap3A = arith.constant 0 : index
    %swap3A_23 = arith.constant 0 : index
    %swap3A_24 = vector.load %arg4[%swap3A, %swap3A_23] : memref<4096x4xf32, #tpu.memory_space<vmem>>, vector<4096x4xf32>
    tpu.vector_store %arg4[%swap3A, %swap3A_23], %sub3A_22 {strides = array<i32>} : memref<4096x4xf32, #tpu.memory_space<vmem>>, vector<4096x4xf32>,
    return
  }
}

</mosaic_0001>

<sc_bundles>
// kernel: kernel.5.cloned.1.call-start
scs
__scs_entry_jumppad:
0x0: {  	(pc) =	sbr.rel $0x88, $3  }
0x1: {  	(tag) =	ssettag $0x0;
	lr =	simm.s32 $0x1  }
0x2: {  	[smem:$0x3F9B] =	sst lr;
	_ =	strace $0xD0000000  }
0x3: {  	_ = 	snop  }
0x4: {  	_ = 	snop  }
0x5: {  	_ = 	snop  }
0x6: {  	_ = 	snop  }
0x7: {  	_ = 	snop  }
__scs_overlays_trampoline_lowered:
0x8: {  	[smem:$0x3FAA] =	sst s0  }
0x9: {  	[smem:$0x3FAB] =	sst s1  }
0xa: {  	[smem:$0x3FAC] =	sst s2  }
0xb: {  	[smem:$0x3FAD] =	sst s3  }
0xc: {  	[smem:$0x3FAE] =	sst s4  }
0xd: {  	[smem:$0x3FAF] =	sst s5  }
0xe: {  	[smem:$0x3FB0] =	sst s6  }
0xf: {  	[smem:$0x3FB1] =	sst s7  }
0x10: {  	[smem:$0x3FB2] =	sst s8  }
0x11: {  	[smem:$0x3FB3] =	sst s9;
	s0 =	simm.s32 @!p0 $0x0  }
0x12: {  	s1 =	sld [smem:$0x3F99];
	s0 =	simm.s32 @p0 $0x1  }
0x13: {  	[smem:$0x3FB4] =	sst s0;
	s0 =	simm.s32 @!p1 $0x0  }
0x14: {  	s2 =	sld [smem:$0x3F98];
	s0 =	simm.s32 @p1 $0x1  }
0x15: {  	[smem:$0x3FB5] =	sst s0;
	s0 =	simm.s32 @!p2 $0x0  }
0x16: {  	s3 =	sld [smem:$0x3FDB];
	s0 =	simm.s32 @p2 $0x1  }
0x17: {  	s4 =	simm.s32 $0x1BF5;
	[smem:$0x3FB7] =	sst s0  }
0x18: {  	s0 =	sld [smem:$0x3F9A];
	_ =	swait.ge [sflag:s4], $0x0  }
0x19: {  	s7 =	sld [smem:$0x3F9B]  }
0x1a: {  	s8 =	sadd.s32 $0xFFFFE003, lr  }
0x1b: {  	s9 =	sadd.s32 $0xFFFFFEF7, lr;
	s5 =	simm.s32 $0xFFFFFFFF;
	p2 =	slt.u32 s8, $0xFFFFF086  }
0x1c: {  	p1 =	slt.u32 s9, $0xF7A;
	s5 =	simm.s32 @!p2 $0x0  }
0x1d: {  	s5 =	simm.s32 @p1 $0x1;
	p0 =	seq.s32 s7, s2  }
0x1e: {  	s7 =	smul.u32 @!p0 $0xF7A, s2;
	p2 =	seq.s32 @!p0 s5, $0x0  }
0x1f: {  	s9 =	smul.u32 $0xF7A, s1;
	s8 =	simm.s32 @!p0 $0x1BF5;
	p2 =	por !p2, p0  }
0x20: {  	[sflag:s8] =	ssyncset.s32 @!p0 $0xFFFFF086;
	s6 =	sadd.s32 @!p0 s3, s7;
	s7 =	simm.s32 @!p0 $0x108  }
0x21: {  	s3 =	sadd.s32 s3, s9;
	s6 =	sadd.s32 @!p0 $0x88, s6;
	s7 =	simm.s32 @p2 $0x1082  }
0x22: {  	[simem:s7], [sflag:s8] =	dma.local @!p0 [hbm:s6], $0xF7A  }
0x23: {  	s9 =	sor.u32 $0xD0000000, s2;
	s6 =	simm.s32 $0x108;
	_ =	swait.ge @!p0 [sflag:s8], $0x0  }
0x24: {  	s3 =	sadd.s32 $0x88, s3;
	s6 =	simm.s32 @!p1 $0x1082;
	[sflag:s4] =	ssyncset.s32 $0xFFFFF086  }
0x25: {  	[simem:s6], [sflag:s4] =	dma.local [hbm:s3], $0xF7A  }
0x26: {  	[smem:$0x3F9B] =	sst s1;
	(tag) =	ssettag s2;
	_ =	strace s9  }
0x27: {  	s1 =	sld [smem:$0x3FAB]  }
0x28: {  	s2 =	sld [smem:$0x3FAC]  }
0x29: {  	s4 =	sld [smem:$0x3FAE]  }
0x2a: {  	p0 =	seq.s32 s5, $0x0;
	s5 =	sld [smem:$0x3FAF]  }
0x2b: {  	s6 =	sld [smem:$0x3FB0]  }
0x2c: {  	s7 =	sld [smem:$0x3FB1]  }
0x2d: {  	s3 =	simm.s32 $0x108;
	s8 =	sld [smem:$0x3FB2]  }
0x2e: {  	s3 =	simm.s32 @!p0 $0x1082;
	s9 =	sld [smem:$0x3FB3]  }
0x2f: {  	lr =	sadd.s32 s0, s3;
	s0 =	sld [smem:$0x3FAA]  }
0x30: {  	s3 =	sld [smem:$0x3FAD]  }
0x31: {  	[smem:$0x3FB6] =	sst s10  }
0x32: {  	s10 =	sld [smem:$0x3FB4];
	_ =	sdelay $0x3  }
0x33: {  	p0 =	seq.s32 s10, $0x1;
	s10 =	sld [smem:$0x3FB6];
	_ =	sdelay $0x3  }
0x34: {  	[smem:$0x3FB6] =	sst s10  }
0x35: {  	s10 =	sld [smem:$0x3FB5];
	_ =	sdelay $0x3  }
0x36: {  	p1 =	seq.s32 s10, $0x1;
	s10 =	sld [smem:$0x3FB6];
	_ =	sdelay $0x3  }
0x37: {  	[smem:$0x3FB6] =	sst s10  }
0x38: {  	s10 =	sld [smem:$0x3FB7]  }
0x39: {  	_ = 	snop;
	(pc) =	sbr.ind lr, $3  }
0x3a: {  	_ = 	snop  }
0x3b: {  	_ = 	snop  }
0x3c: {  	p2 =	seq.s32 s10, $0x1;
	s10 =	sld [smem:$0x3FB6]  }
0x3d: {  	_ =	shalt  }
0x3e: {  	_ =	shalt  }
0x3f: {  	_ =	shalt  }
0x40: {  	_ =	shalt  }
0x41: {  	_ =	shalt  }
0x42: {  	_ =	shalt  }
0x43: {  	_ =	shalt  }
0x44: {  	_ =	shalt  }
0x45: {  	_ =	shalt  }
0x46: {  	_ =	shalt  }
0x47: {  	_ =	shalt  }
0x48: {  	_ =	shalt  }
0x49: {  	_ =	shalt  }
0x4a: {  	_ =	shalt  }
0x4b: {  	_ =	shalt  }
0x4c: {  	_ =	shalt  }
0x4d: {  	_ =	shalt  }
0x4e: {  	_ =	shalt  }
0x4f: {  	_ =	shalt  }
0x50: {  	_ =	shalt  }
0x51: {  	_ =	shalt  }
0x52: {  	_ =	shalt  }
0x53: {  	_ =	shalt  }
0x54: {  	_ =	shalt  }
0x55: {  	_ =	shalt  }
0x56: {  	_ =	shalt  }
0x57: {  	_ =	shalt  }
0x58: {  	_ =	shalt  }
0x59: {  	_ =	shalt  }
0x5a: {  	_ =	shalt  }
0x5b: {  	_ =	shalt  }
0x5c: {  	_ =	shalt  }
0x5d: {  	_ =	shalt  }
0x5e: {  	_ =	shalt  }
0x5f: {  	_ =	shalt  }
0x60: {  	_ =	shalt  }
0x61: {  	_ =	shalt  }
0x62: {  	_ =	shalt  }
0x63: {  	_ =	shalt  }
0x64: {  	_ =	shalt  }
0x65: {  	_ =	shalt  }
0x66: {  	_ =	shalt  }
0x67: {  	_ =	shalt  }
0x68: {  	_ =	shalt  }
0x69: {  	_ =	shalt  }
0x6a: {  	_ =	shalt  }
0x6b: {  	_ =	shalt  }
0x6c: {  	_ =	shalt  }
0x6d: {  	_ =	shalt  }
0x6e: {  	_ =	shalt  }
0x6f: {  	_ =	shalt  }
0x70: {  	_ =	shalt  }
0x71: {  	_ =	shalt  }
0x72: {  	_ =	shalt  }
0x73: {  	_ =	shalt  }
0x74: {  	_ =	shalt  }
0x75: {  	_ =	shalt  }
0x76: {  	_ =	shalt  }
0x77: {  	_ =	shalt  }
0x78: {  	_ =	shalt  }
0x79: {  	_ =	shalt  }
0x7a: {  	_ =	shalt  }
0x7b: {  	_ =	shalt  }
0x7c: {  	_ =	shalt  }
0x7d: {  	_ =	shalt  }
0x7e: {  	_ =	shalt  }
0x7f: {  	_ =	shalt  }
0x80: {  	_ =	shalt  }
0x81: {  	_ =	shalt  }
0x82: {  	_ =	shalt  }
0x83: {  	_ =	shalt  }
0x84: {  	_ =	shalt  }
0x85: {  	_ =	shalt  }
0x86: {  	_ =	shalt  }
0x87: {  	_ =	shalt  }
.Lfunc_end0:
.L_simem_size_0:
called_computation_lowered:
.L_overlay_start_0:
0x88: {  	s2 =	sld [smem:$0x3FD9]  }
0x89: {  	s3 =	sld [smem:$0x3FFE];
	_ =	sdelay $0x1  }
0x8a: {  	s1 =	srdreg.scid  }
0x8b: {  	s0 =	sand.u32 $0x1, s1  }
0x8c: {  	s16 =	sshll.u32 s0, $0xA;
	s2 =	sadd.s32 s3, s2  }
0x8d: {  	s2 =	sadd.s32 s2, s16  }
0x8e: {  	[smem:$0x3FC2] =	sst s2  }
0x8f: {  	_ = 	snop  }
0x90: {  	(tm) =	ssettm $0x1  }
0x91: {  	s17 =	sld [smem:$0x3FFB];
	_ =	sdelay $0x3  }
0x92: {  	_ =	strace s17  }
0x93: {  	s2 =	sld [smem:$0x3FFC];
	_ =	sdelay $0x3  }
0x94: {  	_ =	strace s2  }
0x95: {  	s2 =	sld [smem:$0x3FFD];
	_ =	sdelay $0x3  }
0x96: {  	_ =	strace s2  }
0x97: {  	_ =	strace $0x8FFFFFFF  }
0x98: {  	s18 =	sld [smem:$0x3FDB];
	_ =	sdelay $0x1  }
0x99: {  	s19 =	simm.s32 $_scs_section_size  }
0x9a: {  	s4 =	simm.s32 $_size__tile_overlayer_lowered;
	s5 =	simm.s32 $_tile_overlayer_lowered  }
0x9b: {  	s22 =	simm.s32 $0x1BFF;
	s21 =	sshll.u32 s5, $0x1;
	s2 =	sadd.s32 s19, s18  }
0x9c: {  	s6 =	simm.s32 $0x0;
	s20 =	sshll.u32 s4, $0x1;
	s4 =	sadd.s32 s21, s2  }
0x9d: {  	[timem:s6], [sflag:s22] =	dma.local [hbm:s4], s20  }
0x9e: {  	_ =	swait.ge [sflag:s22], s20  }
0x9f: {  	s3 =	ssub.s32 $0x0, s20;
	[sflag:s22] =	ssyncset.done $0x0  }
0xa0: {  	[sflag:s22] =	ssyncadd.s32 s3;
	_ =	sdelay $0x1  }
0xa1: {  	s23 =	simm.s32 $0x1B8B  }
0xa2: {  	_ =	swait.ge [sflag:s23], $0x1  }
0xa3: {  	[sflag:s23] =	ssyncset.done $0x0  }
0xa4: {  	s25 =	simm.s32 $0x1B8E;
	s24 =	sld [smem:$0x3FFE];
	[sflag:s23] =	ssyncadd.s32 $0xFFFFFFFF  }
0xa5: {  	s26 =	simm.s32 $execute0_lowered;
	[smem:$0x3FD2] =	sst s25  }
0xa6: {  	s4 =	sshll.u32 s26, $0x1;
	_ =	strace $0x80000046;
	[dreg:$0x1] =	wrdreg $0xFFFFFFFF  }
0xa7: {  	s28 =	simm.s32 $_size_execute0_lowered;
	s2 =	sadd.s32 s2, s4;
	[dreg:$0x0] =	wrdreg $0x0  }
0xa8: {  	s4 =	sshll.u32 s28, $0x1;
	[dreg:$0x2] =	wrdreg s2  }
0xa9: {  	[dreg:$0x3] =	wrdreg s4  }
0xaa: {  	[dreg:$0x4] =	wrdreg $0xC0  }
0xab: {  	_ =	task [dreg:s6], $0x5FFFF  }
0xac: {  	[dreg:$0x1] =	wrdreg $0xFFFFFFFF  }
0xad: {  	[dreg:$0x0] =	wrdreg $0x60  }
0xae: {  	[dreg:$0x2] =	wrdreg s24  }
0xaf: {  	[dreg:$0x3] =	wrdreg $0x9  }
0xb0: {  	_ =	task.clear_ibuf [dreg:s6], $0x4FFFF;
	_ =	strace $0x90000046  }
0xb1: {  	s29 =	simm.s32 $0x9;
	_ =	strace $0x80000048  }
0xb2: {  	_ =	swait.ge [sflag:s29], $0x1  }
0xb3: {  	[sflag:s29] =	ssyncadd.s32 $0xFFFFFFFF  }
0xb4: {  	_ =	strace $0x90000048  }
0xb5: {  	_ =	sfence  }
0xb6: {  	s30 =	sld [smem:$0x0];
	_ =	sdelay $0x2  }
0xb7: {  	s31 =	sshll.u32 s1, $0xD;
	s1 =	sshrl.u32 s1, $0x2  }
0xb8: {  	s3 =	sand.u32 $0x4000, s31;
	s1 =	sadd.s32 s1, s30  }
0xb9: {  	s0 =	sor.u32 s3, s0;
	s1 =	sshll.u32 s1, $0x11  }
0xba: {  	s0 =	sor.u32 s1, s0  }
0xbb: {  	s0 =	sadd.s32 $0x8F2B, s0  }
0xbc: {  	[sflag:s0] =	ssyncadd.remote.s32 $0x1  }
0xbd: {  	_ =	sfence.sel $0xFFFF  }
0xbe: {  	[dreg:$0x0] =	wrdreg $0xFFFFFFFF;
	(pc) =	sbr.abs _section_cstart, $3  }
0xbf: {  	[dreg:$0x1] =	wrdreg $0xFFFFFFFF  }
0xc0: {  	_ =	task.clear_ibuf [dreg:s6], $0x2FFFF;
	_ =	strace $0x9FFFFFFF  }
0xc1: {  	(tm) =	ssettm $0x7FFFFFFF  }
tec
execute0_lowered:
.L_overlay_start_1:
0x0: {  	(tag) =	ssettag $0x1  }
0x1: {  	s1 =	srdreg.scid;
	s0 =	stileid.u32  }
0x2: {  	s4 =	rddreg [dreg:$0x0];
	s9 =	simm.s32 $0x6400;
	s10 =	simm.s32 $0x7080  }
0x3: {  	s11 =	simm.s32 $0x190;
	s12 =	simm.s32 $0x7D00;
	s13 =	simm.s32 $0x8980  }
0x4: {  	s14 =	simm.s32 $0x1;
	s15 =	simm.s32 $0x2;
	s16 =	simm.s32 $0x3  }
0x5: {  	s17 =	simm.s32 $0x4;
	s18 =	simm.s32 $0x9600;
	s19 =	simm.s32 $0x0  }
0x6: {  	s3 =	sand.u32 $0x1, s1;
	s31 =	sshll.u32 s0, $0x8;
	s1 =	rddreg [dreg:$0x1]  }
0x7: {  	s2 =	sshll.u32 s3, $0x7;
	s7 =	ssub.s32 $0x2, s3;
	s3 =	sadd.s32 $0x1600, s4  }
0x8: {  	s5 =	sor.u32 s2, s31;
	s2 =	simm.s32 $0x0;
	s8 =	sshrl.u32 s7, $0x1  }
0x9: {  	s6 =	smul.u32 $0x19, s5;
	[smem:$0x7FF] =	sst s2;
	s5 =	sshll.u32 s5, $0x1  }
0xa: {  	s7 =	ssub.s32 s7, s8;
	s8 =	simm.s32 $0xC8;
	s5 =	sadd.s32 s5, s4  }
0xb: {  	_ =	strace $0x80000047;
	s6 =	sadd.s32 s6, s4;
	s5 =	sadd.s32 $0x4B400, s5  }
0xc: {  	s4 =	sadd.s32 $0x32400, s6;
	s6 =	smax.u32 s7, $0x1;
	s7 =	simm.s32 $0x5  }
.LBB2_1:
0xd: {  	[tilespmem:s2], [sflag:$0x5] =	stream.linear.gather [hbm4b:s4+s2], $0x6400, $0x38;
	[tilespmem:$0x9E00] =	vst v63  }
0xe: {  	_ =	swait.ge [sflag:s7], $0x6400  }
0xf: {  	[sflag:s7] =	ssyncset.done $0x0  }
0x10: {  	[sflag:s7] =	ssyncadd.s32 $0xFFFF9C00  }
0x11: {  	[tilespmem:s9], [sflag:$0x1] =	stream.indirect.gather [hbm4b:s3+s8], $0x10, s2, s8, $0xb8;
	[tilespmem:$0x9E00] =	vst v63  }
0x12: {  	_ = 	snop  }
0x13: {  	[tilespmem:s10], [sflag:$0x2] =	stream.indirect.gather [hbm4b:s3+s8], $0x10, s8, s8, $0xb8;
	[tilespmem:$0x9E00] =	vst v63  }
0x14: {  	s20 =	simm.s32 $0x0  }
0x15: {  	[tilespmem:s12], [sflag:$0x3] =	stream.indirect.gather [hbm4b:s3+s8], $0x10, s11, s8, $0xb8;
	[tilespmem:$0x9E00] =	vst v63  }
.LBB2_2:
0x16: {  	s21 =	sshllo.u32 s20, $0x2  }
0x17: {  	s22 =	smul.u32 $0x320, s21;
	_ =	sdelay $0x1  }
0x18: {  	s22 =	sshra.s32 s22, $0x2  }
0x19: {  	[tilespmem:s13], [sflag:$0x4] =	stream.indirect.gather [hbm4b:s3+s8], $0x10, s22, s8, $0xb8;
	[tilespmem:$0x9E00] =	vst v63  }
0x1a: {  	_ =	swait.ge [sflag:s14], $0xC80  }
0x1b: {  	[sflag:s14] =	ssyncset.done $0x0  }
0x1c: {  	s24 =	simm.s32 $0x0;
	[sflag:s14] =	ssyncadd.s32 $0xFFFFF380  }
0x1d: {  	v0 =	vld [tilespmem:s24+$0x6470]  }
0x1e: {  	v1 =	vld [tilespmem:s24+$0x6400]  }
0x1f: {  	v2 =	vld [tilespmem:s24+$0x6410]  }
0x20: {  	v5 =	vld [tilespmem:s24+$0x6420]  }
0x21: {  	v6 =	vld [tilespmem:s24+$0x6430]  }
0x22: {  	v3 =	vimm.f32 $0.0e+00;
	v4 =	vimm.f32 $0.0e+00;
	v7 =	vld [tilespmem:s24+$0x6440]  }
0x23: {  	v10 =	vimm.f32 $0.0e+00;
	v8 =	vimm.f32 $0.0e+00;
	v11 =	vld [tilespmem:s24+$0x6450];
	v0 =	vadd.f32 v0, v3  }
0x24: {  	s23 =	simm.s32 $0x400;
	v9 =	vimm.f32 $0.0e+00;
	s22 =	simm.s32 $0x80;
	v12 =	vld [tilespmem:s24+$0x6460];
	v1 =	vadd.f32 v1, v3;
	v2 =	vadd.f32 v2, v3  }
.LBB2_3:
0x25: {  	p0 =	sne.s32 s23, $0x3000;
	v13 =	vld [tilespmem:s22+$0x6470];
	v3 =	vadd.f32 v5, v3  }
0x26: {  	v14 =	vld [tilespmem:s22+$0x6400];
	v4 =	vadd.f32 v6, v4  }
0x27: {  	v15 =	vld [tilespmem:s22+$0x6410];
	v10 =	vadd.f32 v7, v10  }
.Ltmp0:
0x28: {  	v5 =	vld [tilespmem:s22+$0x6420];
	v8 =	vadd.f32 v11, v8;
	(pc) =	sbr.rel @p0 .LBB2_3-.Ltmp0, $4  }
0x29: {  	v6 =	vld [tilespmem:s22+$0x6430];
	v9 =	vadd.f32 v12, v9  }
0x2a: {  	v7 =	vld [tilespmem:s22+$0x6440];
	v0 =	vadd.f32 v13, v0  }
0x2b: {  	v1 =	vadd.f32 v14, v1;
	v11 =	vld [tilespmem:s22+$0x6450]  }
0x2c: {  	v2 =	vadd.f32 v15, v2;
	v12 =	vld [tilespmem:s22+$0x6460];
	s22 =	sshra.s32 s23, $0x2;
	s23 =	sadd.s32 $0x200, s23  }
0x2d: {  	v13 =	vld [tilespmem:s22+$0x6470]  }
0x2e: {  	v14 =	vld [tilespmem:s22+$0x6400]  }
0x2f: {  	v15 =	vld [tilespmem:s22+$0x6410]  }
0x30: {  	v16 =	vld [tilespmem:s22+$0x6420]  }
0x31: {  	v17 =	vld [tilespmem:s22+$0x6430]  }
0x32: {  	v18 =	vld [tilespmem:s22+$0x6440]  }
0x33: {  	v3 =	vadd.f32 v5, v3;
	v5 =	vld [tilespmem:s22+$0x6450]  }
0x34: {  	v4 =	vadd.f32 v6, v4;
	v6 =	vadd.f32 v7, v10;
	v7 =	vld [tilespmem:s22+$0x6460]  }
0x35: {  	v8 =	vadd.f32 v11, v8;
	v9 =	vadd.f32 v12, v9  }
0x36: {  	v0 =	vadd.f32 v13, v0;
	v1 =	vadd.f32 v14, v1  }
0x37: {  	v2 =	vadd.f32 v15, v2;
	v3 =	vadd.f32 v16, v3  }
0x38: {  	v4 =	vadd.f32 v17, v4;
	v6 =	vadd.f32 v18, v6  }
0x39: {  	v5 =	vadd.f32 v5, v8;
	v7 =	vadd.f32 v7, v9  }
0x3a: {  	v1 =	vadd.f32 v2, v1;
	v2 =	vadd.f32 v4, v3  }
0x3b: {  	v3 =	vadd.f32 v5, v6;
	v0 =	vadd.f32 v0, v7;
	_ =	sdelay $0x1  }
0x3c: {  	p0 =	seq.s32 s20, $0x1F;
	v1 =	vadd.f32 v2, v1;
	v0 =	vadd.f32 v0, v3  }
0x3d: {  	s23 =	smul.u32 @!p0 $0xC80, s20  }
0x3e: {  	s30 =	sshll.u32 s20, $0x6;
	v0 =	vadd.f32 v0, v1  }
0x3f: {  	s22 =	sand.u32 $0x3FFFFFC0, s30;
	s23 =	sshra.s32 @!p0 s23, $0x2  }
0x40: {  	s25 =	simm.s32 @!p0 $0xC8;
	s26 =	simm.s32 @!p0 $0x6400;
	s24 =	sadd.s32 @!p0 $0x320, s23;
	[tilespmem:s22+$0x9600] =	vst v0  }
0x41: {  	[tilespmem:s26], [sflag:$0x1] =	stream.indirect.gather @!p0 [hbm4b:s3+s25], $0x10, s24, s25, $0xb8;
	[tilespmem:$0x9E00] =	vst v63  }
0x42: {  	_ =	swait.ge [sflag:s15], $0xC80  }
0x43: {  	[sflag:s15] =	ssyncset.done $0x0  }
0x44: {  	s31 =	simm.s32 $0x0;
	[sflag:s15] =	ssyncadd.s32 $0xFFFFF380  }
0x45: {  	v0 =	vld [tilespmem:s31+$0x70F0]  }
0x46: {  	v1 =	vld [tilespmem:s31+$0x7080]  }
0x47: {  	v2 =	vld [tilespmem:s31+$0x7090]  }
0x48: {  	v5 =	vld [tilespmem:s31+$0x70A0]  }
0x49: {  	v6 =	vld [tilespmem:s31+$0x70B0]  }
0x4a: {  	v10 =	vimm.f32 $0.0e+00;
	v3 =	vimm.f32 $0.0e+00;
	v7 =	vld [tilespmem:s31+$0x70C0]  }
0x4b: {  	v8 =	vimm.f32 $0.0e+00;
	v4 =	vimm.f32 $0.0e+00;
	v11 =	vld [tilespmem:s31+$0x70D0];
	v0 =	vadd.f32 v0, v3  }
0x4c: {  	v9 =	vimm.f32 $0.0e+00;
	s24 =	simm.s32 $0x80;
	s25 =	simm.s32 $0x400;
	v12 =	vld [tilespmem:s31+$0x70E0];
	v1 =	vadd.f32 v1, v3;
	v2 =	vadd.f32 v2, v3  }
.LBB2_5:
0x4d: {  	p1 =	sne.s32 s25, $0x3000;
	v13 =	vld [tilespmem:s24+$0x70F0];
	v3 =	vadd.f32 v5, v3  }
0x4e: {  	v14 =	vld [tilespmem:s24+$0x7080];
	v4 =	vadd.f32 v6, v4  }
0x4f: {  	v15 =	vld [tilespmem:s24+$0x7090];
	v10 =	vadd.f32 v7, v10  }
.Ltmp1:
0x50: {  	v5 =	vld [tilespmem:s24+$0x70A0];
	v8 =	vadd.f32 v11, v8;
	(pc) =	sbr.rel @p1 .LBB2_5-.Ltmp1, $4  }
0x51: {  	v6 =	vld [tilespmem:s24+$0x70B0];
	v9 =	vadd.f32 v12, v9  }
0x52: {  	v7 =	vld [tilespmem:s24+$0x70C0];
	v0 =	vadd.f32 v13, v0  }
0x53: {  	v1 =	vadd.f32 v14, v1;
	v11 =	vld [tilespmem:s24+$0x70D0]  }
0x54: {  	v2 =	vadd.f32 v15, v2;
	v12 =	vld [tilespmem:s24+$0x70E0];
	s24 =	sshra.s32 s25, $0x2;
	s25 =	sadd.s32 $0x200, s25  }
0x55: {  	v13 =	vld [tilespmem:s24+$0x70F0]  }
0x56: {  	v14 =	vld [tilespmem:s24+$0x7080]  }
0x57: {  	v15 =	vld [tilespmem:s24+$0x7090]  }
0x58: {  	v16 =	vld [tilespmem:s24+$0x70A0]  }
0x59: {  	v17 =	vld [tilespmem:s24+$0x70B0]  }
0x5a: {  	v18 =	vld [tilespmem:s24+$0x70C0]  }
0x5b: {  	v3 =	vadd.f32 v5, v3;
	v5 =	vld [tilespmem:s24+$0x70D0]  }
0x5c: {  	v4 =	vadd.f32 v6, v4;
	v6 =	vadd.f32 v7, v10;
	v7 =	vld [tilespmem:s24+$0x70E0]  }
0x5d: {  	v8 =	vadd.f32 v11, v8;
	v9 =	vadd.f32 v12, v9  }
0x5e: {  	v0 =	vadd.f32 v13, v0;
	v1 =	vadd.f32 v14, v1  }
0x5f: {  	v2 =	vadd.f32 v15, v2;
	v3 =	vadd.f32 v16, v3  }
0x60: {  	v4 =	vadd.f32 v17, v4;
	v6 =	vadd.f32 v18, v6  }
0x61: {  	v5 =	vadd.f32 v5, v8;
	v7 =	vadd.f32 v7, v9  }
0x62: {  	v1 =	vadd.f32 v2, v1;
	v2 =	vadd.f32 v4, v3  }
0x63: {  	v3 =	vadd.f32 v5, v6;
	v0 =	vadd.f32 v0, v7;
	_ =	sdelay $0x1  }
0x64: {  	v1 =	vadd.f32 v2, v1;
	v0 =	vadd.f32 v0, v3;
	_ =	sdelay $0x1  }
0x65: {  	v0 =	vadd.f32 v0, v1;
	_ =	sdelay $0x1  }
0x66: {  	s25 =	simm.s32 @!p0 $0xC8;
	s26 =	simm.s32 @!p0 $0x7080;
	s24 =	sadd.s32 @!p0 $0x3E8, s23;
	[tilespmem:s22+$0x9610] =	vst v0  }
0x67: {  	[tilespmem:s26], [sflag:$0x2] =	stream.indirect.gather @!p0 [hbm4b:s3+s25], $0x10, s24, s25, $0xb8;
	[tilespmem:$0x9E00] =	vst v63  }
0x68: {  	_ =	swait.ge [sflag:s16], $0xC80  }
0x69: {  	[sflag:s16] =	ssyncset.done $0x0  }
0x6a: {  	s31 =	simm.s32 $0x0;
	[sflag:s16] =	ssyncadd.s32 $0xFFFFF380  }
0x6b: {  	v0 =	vld [tilespmem:s31+$0x7D70]  }
0x6c: {  	v1 =	vld [tilespmem:s31+$0x7D00]  }
0x6d: {  	v2 =	vld [tilespmem:s31+$0x7D10]  }
0x6e: {  	v5 =	vld [tilespmem:s31+$0x7D20]  }
0x6f: {  	v6 =	vld [tilespmem:s31+$0x7D30]  }
0x70: {  	v10 =	vimm.f32 $0.0e+00;
	v3 =	vimm.f32 $0.0e+00;
	v7 =	vld [tilespmem:s31+$0x7D40]  }
0x71: {  	v8 =	vimm.f32 $0.0e+00;
	v4 =	vimm.f32 $0.0e+00;
	v11 =	vld [tilespmem:s31+$0x7D50];
	v0 =	vadd.f32 v0, v3  }
0x72: {  	v9 =	vimm.f32 $0.0e+00;
	s24 =	simm.s32 $0x80;
	s25 =	simm.s32 $0x400;
	v12 =	vld [tilespmem:s31+$0x7D60];
	v1 =	vadd.f32 v1, v3;
	v2 =	vadd.f32 v2, v3  }
.LBB2_7:
0x73: {  	p1 =	sne.s32 s25, $0x3000;
	v13 =	vld [tilespmem:s24+$0x7D70];
	v3 =	vadd.f32 v5, v3  }
0x74: {  	v14 =	vld [tilespmem:s24+$0x7D00];
	v4 =	vadd.f32 v6, v4  }
0x75: {  	v15 =	vld [tilespmem:s24+$0x7D10];
	v10 =	vadd.f32 v7, v10  }
.Ltmp2:
0x76: {  	v5 =	vld [tilespmem:s24+$0x7D20];
	v8 =	vadd.f32 v11, v8;
	(pc) =	sbr.rel @p1 .LBB2_7-.Ltmp2, $4  }
0x77: {  	v6 =	vld [tilespmem:s24+$0x7D30];
	v9 =	vadd.f32 v12, v9  }
0x78: {  	v7 =	vld [tilespmem:s24+$0x7D40];
	v0 =	vadd.f32 v13, v0  }
0x79: {  	v1 =	vadd.f32 v14, v1;
	v11 =	vld [tilespmem:s24+$0x7D50]  }
0x7a: {  	v2 =	vadd.f32 v15, v2;
	v12 =	vld [tilespmem:s24+$0x7D60];
	s24 =	sshra.s32 s25, $0x2;
	s25 =	sadd.s32 $0x200, s25  }
0x7b: {  	v13 =	vld [tilespmem:s24+$0x7D70]  }
0x7c: {  	v14 =	vld [tilespmem:s24+$0x7D00]  }
0x7d: {  	v15 =	vld [tilespmem:s24+$0x7D10]  }
0x7e: {  	v16 =	vld [tilespmem:s24+$0x7D20]  }
0x7f: {  	v17 =	vld [tilespmem:s24+$0x7D30]  }
0x80: {  	v18 =	vld [tilespmem:s24+$0x7D40]  }
0x81: {  	v3 =	vadd.f32 v5, v3;
	v5 =	vld [tilespmem:s24+$0x7D50]  }
0x82: {  	v4 =	vadd.f32 v6, v4;
	v6 =	vadd.f32 v7, v10;
	v7 =	vld [tilespmem:s24+$0x7D60]  }
0x83: {  	v8 =	vadd.f32 v11, v8;
	v9 =	vadd.f32 v12, v9  }
0x84: {  	v0 =	vadd.f32 v13, v0;
	v1 =	vadd.f32 v14, v1  }
0x85: {  	v2 =	vadd.f32 v15, v2;
	v3 =	vadd.f32 v16, v3  }
0x86: {  	v4 =	vadd.f32 v17, v4;
	v6 =	vadd.f32 v18, v6  }
0x87: {  	v5 =	vadd.f32 v5, v8;
	v7 =	vadd.f32 v7, v9  }
0x88: {  	v1 =	vadd.f32 v2, v1;
	v2 =	vadd.f32 v4, v3  }
0x89: {  	v3 =	vadd.f32 v5, v6;
	v0 =	vadd.f32 v0, v7;
	_ =	sdelay $0x1  }
0x8a: {  	v1 =	vadd.f32 v2, v1;
	v0 =	vadd.f32 v0, v3;
	_ =	sdelay $0x1  }
0x8b: {  	v0 =	vadd.f32 v0, v1;
	_ =	sdelay $0x1  }
0x8c: {  	s24 =	simm.s32 @!p0 $0x7D00;
	[tilespmem:s22+$0x9620] =	vst v0;
	s22 =	sadd.s32 @!p0 $0x4B0, s23;
	s23 =	simm.s32 @!p0 $0xC8  }
0x8d: {  	[tilespmem:s24], [sflag:$0x3] =	stream.indirect.gather @!p0 [hbm4b:s3+s23], $0x10, s22, s23, $0xb8;
	[tilespmem:$0x9E00] =	vst v63  }
0x8e: {  	_ =	swait.ge [sflag:s17], $0xC80  }
0x8f: {  	[sflag:s17] =	ssyncset.done $0x0  }
0x90: {  	s31 =	simm.s32 $0x0;
	[sflag:s17] =	ssyncadd.s32 $0xFFFFF380  }
0x91: {  	v0 =	vld [tilespmem:s31+$0x89F0]  }
0x92: {  	v1 =	vld [tilespmem:s31+$0x8980]  }
0x93: {  	v2 =	vld [tilespmem:s31+$0x8990]  }
0x94: {  	v5 =	vld [tilespmem:s31+$0x89A0]  }
0x95: {  	v6 =	vld [tilespmem:s31+$0x89B0]  }
0x96: {  	v10 =	vimm.f32 $0.0e+00;
	v3 =	vimm.f32 $0.0e+00;
	v7 =	vld [tilespmem:s31+$0x89C0]  }
0x97: {  	v8 =	vimm.f32 $0.0e+00;
	v4 =	vimm.f32 $0.0e+00;
	v11 =	vld [tilespmem:s31+$0x89D0];
	v0 =	vadd.f32 v0, v3  }
0x98: {  	v9 =	vimm.f32 $0.0e+00;
	s22 =	simm.s32 $0x80;
	s23 =	simm.s32 $0x400;
	v12 =	vld [tilespmem:s31+$0x89E0];
	v1 =	vadd.f32 v1, v3;
	v2 =	vadd.f32 v2, v3  }
.LBB2_9:
0x99: {  	p0 =	sne.s32 s23, $0x3000;
	v13 =	vld [tilespmem:s22+$0x89F0];
	v3 =	vadd.f32 v5, v3  }
0x9a: {  	v14 =	vld [tilespmem:s22+$0x8980];
	v4 =	vadd.f32 v6, v4  }
0x9b: {  	v15 =	vld [tilespmem:s22+$0x8990];
	v10 =	vadd.f32 v7, v10  }
.Ltmp3:
0x9c: {  	v5 =	vld [tilespmem:s22+$0x89A0];
	v8 =	vadd.f32 v11, v8;
	(pc) =	sbr.rel @p0 .LBB2_9-.Ltmp3, $4  }
0x9d: {  	v6 =	vld [tilespmem:s22+$0x89B0];
	v9 =	vadd.f32 v12, v9  }
0x9e: {  	v7 =	vld [tilespmem:s22+$0x89C0];
	v0 =	vadd.f32 v13, v0  }
0x9f: {  	v1 =	vadd.f32 v14, v1;
	v11 =	vld [tilespmem:s22+$0x89D0]  }
0xa0: {  	v2 =	vadd.f32 v15, v2;
	v12 =	vld [tilespmem:s22+$0x89E0];
	s22 =	sshra.s32 s23, $0x2;
	s23 =	sadd.s32 $0x200, s23  }
0xa1: {  	v13 =	vld [tilespmem:s22+$0x89F0]  }
0xa2: {  	v14 =	vld [tilespmem:s22+$0x8980]  }
0xa3: {  	v15 =	vld [tilespmem:s22+$0x8990]  }
0xa4: {  	v16 =	vld [tilespmem:s22+$0x89A0]  }
0xa5: {  	v17 =	vld [tilespmem:s22+$0x89B0]  }
0xa6: {  	v18 =	vld [tilespmem:s22+$0x89C0]  }
0xa7: {  	v3 =	vadd.f32 v5, v3;
	v59 =	vld [tilespmem:s22+$0x89D0]  }
0xa8: {  	v61 =	vld [tilespmem:s22+$0x89E0];
	v4 =	vadd.f32 v6, v4;
	v60 =	vadd.f32 v7, v10  }
0xa9: {  	v8 =	vadd.f32 v11, v8;
	v9 =	vadd.f32 v12, v9  }
0xaa: {  	v0 =	vadd.f32 v13, v0;
	v1 =	vadd.f32 v14, v1  }
0xab: {  	v2 =	vadd.f32 v15, v2;
	v3 =	vadd.f32 v16, v3  }
0xac: {  	v4 =	vadd.f32 v17, v4;
	v6 =	vadd.f32 v18, v60  }
0xad: {  	v5 =	vadd.f32 v59, v8;
	v7 =	vadd.f32 v61, v9  }
0xae: {  	v1 =	vadd.f32 v2, v1;
	v62 =	vadd.f32 v4, v3  }
0xaf: {  	s20 =	sadd.s32 $0x1, s20;
	v63 =	vadd.f32 v5, v6;
	v0 =	vadd.f32 v0, v7  }
0xb0: {  	p0 =	sne.s32 s20, $0x20  }
.Ltmp4:
0xb1: {  	v1 =	vadd.f32 v62, v1;
	v0 =	vadd.f32 v0, v63;
	(pc) =	sbr.rel @p0 .LBB2_2-.Ltmp4, $4  }
0xb2: {  	_ = 	snop  }
0xb3: {  	s21 =	sshll.u32 s21, $0x4;
	v0 =	vadd.f32 v0, v1  }
0xb4: {  	s21 =	sand.u32 $0x3FFFFFF0, s21  }
0xb5: {  	[tilespmem:s21+$0x9600] =	vst v0  }
0xb6: {  	s19 =	sadd.s32 $0x1, s19  }
0xb7: {  	p0 =	sne.s32 s19, s6  }
.Ltmp5:
0xb8: {  	_ = 	snop;
	(pc) =	sbr.rel @p0 .LBB2_1-.Ltmp5, $4  }
0xb9: {  	[hbm4b:s5+s2] =	stream.linear.scatter [tilespmem:s18], [sflag:$0x5], $0x800, $0x38;
	[tilespmem:$0x9E00] =	vst v63  }
0xba: {  	_ =	swait.ge [sflag:s7], $0x800  }
0xbb: {  	[sflag:s7] =	ssyncset.done $0x0  }
0xbc: {  	[sflag:s7] =	ssyncadd.s32 $0xFFFFF800  }
0xbd: {  	_ =	sfence.sel $0x180000  }
0xbe: {  	[bflag:$0x0] =	sbarrier.arrive $0xFFFF  }
0xbf: {  	p0 =	sne.s32 s0, $0x0;
	_ =	strace $0x90000047  }
0xc0: {  	s0 =	sadd.s32 @!p0 $0x100000, s1;
	[bflag:$0x2] =	sbarrier.arrive $0xFFFF  }
0xc1: {  	[sflag:s0] =	ssyncadd.tile.s32 @!p0 $0x1;
	_ =	shalt  }
.Lfunc_end2:
_tile_overlayer_lowered:
.L_overlay_start_2:
0xc2: {  	(tag) =	ssettag $0x2  }
0xc3: {  	s0 =	rddreg [dreg:$0x0];
	s2 =	stileid.u32  }
0xc4: {  	s1 =	rddreg [dreg:$0x1];
	p0 =	sne.s32 s2, $0x0  }
0xc5: {  	s3 =	rddreg [dreg:$0x2];
	[bflag:$0x3] =	sbarrier.arrive $0xFFFF;
	s2 =	simm.s32 @!p0 $0x1C05  }
0xc6: {  	[timem:s3], [sflag:s2] =	dma.local @!p0 [hbm:s0], s1  }
0xc7: {  	s0 =	simm.s32 @!p0 $0x5  }
0xc8: {  	_ =	swait.ge @!p0 [sflag:s0], s1  }
0xc9: {  	s1 =	ssub.s32 @!p0 $0x0, s1;
	[sflag:s0] =	ssyncset.done @!p0 $0x0  }
0xca: {  	[sflag:s0] =	ssyncadd.s32 @!p0 s1  }
0xcb: {  	[bflag:$0x3] =	sbarrier.arrive $0xFFFF  }
0xcc: {  	_ =	shalt  }

</sc_bundles>
